<compile_context>
chip_gen: v7x
topology: tpu7x:2x2x1
jax: 0.10.2.dev20260603
libtpu: 0.0.44.dev20260713+nightly
codegen_flags: <defaults>
</compile_context>

<pallas_src>
import functools

import jax
import jax.numpy as jnp
from jax import lax
from jax.experimental import pallas as pl
from jax.experimental.pallas import tpu as pltpu
from jax.experimental.pallas import tpu_sc as plsc

N = 10000
E = 160000
HEADS = 8
F_NUM = 64
HID = HEADS * F_NUM

NP = 10240
BN = 256
BE = 512
E_PAD = E + BE
GCHUNK = 200



def _k1_body(x_ref, w_ref, ad_ref, h_ref, adst_ref):
    h = jnp.dot(x_ref[...], w_ref[...], preferred_element_type=jnp.float32)
    h_ref[...] = h
    adst_ref[...] = jnp.dot(h, ad_ref[...], preferred_element_type=jnp.float32)


def _k1(x, w, a_d):
    d_in = x.shape[1]
    bn = 512
    return pl.pallas_call(
        _k1_body,
        grid=(NP // bn,),
        in_specs=[
            pl.BlockSpec((bn, d_in), lambda b: (b, 0)),
            pl.BlockSpec((d_in, HID), lambda b: (0, 0)),
            pl.BlockSpec((HID, 16), lambda b: (0, 0)),
        ],
        out_specs=[
            pl.BlockSpec((bn, HID), lambda b: (b, 0)),
            pl.BlockSpec((bn, 16), lambda b: (b, 0)),
        ],
        out_shape=[
            jax.ShapeDtypeStruct((NP, HID), jnp.float32),
            jax.ShapeDtypeStruct((NP, 16), jnp.float32),
        ],
    )(x, w, a_d)



def _sc_gather(table, idx):
    info = plsc.get_sparse_core_info()
    nw = info.num_cores * info.num_subcores
    per_w = E // nw
    n_it = per_w // GCHUNK
    mesh = plsc.VectorSubcoreMesh(core_axis_name="c", subcore_axis_name="s")

    @functools.partial(
        pl.kernel,
        mesh=mesh,
        out_type=jax.ShapeDtypeStruct((E_PAD, HID), jnp.float32),
        scratch_types=[
            pltpu.VMEM((GCHUNK,), jnp.int32),
            pltpu.VMEM((GCHUNK, HID), jnp.float32),
            pltpu.SemaphoreType.DMA,
        ],
    )
    def gk(table_hbm, idx_hbm, out_hbm, idx_v, rows_v, sem):
        wid = lax.axis_index("s") * info.num_cores + lax.axis_index("c")
        base = wid * per_w

        def body(i, carry):
            off = base + i * GCHUNK
            pltpu.sync_copy(idx_hbm.at[pl.ds(off, GCHUNK)], idx_v)
            pltpu.async_copy(table_hbm.at[idx_v], rows_v, sem).wait()
            pltpu.sync_copy(rows_v, out_hbm.at[pl.ds(off, GCHUNK)])
            return carry

        lax.fori_loop(0, n_it, body, 0)

    return gk(table, idx)



def _k3_body(ptr_ref, adst_ref, as_ref, exp_ref, bias_ref, hs_hbm, dst_hbm,
             out_ref, hs_scr, dst_scr, den_scr, acc_scr, sem):
    b = pl.program_id(0)
    row_start = ptr_ref[b * BN]
    row_end = ptr_ref[(b + 1) * BN]
    a0 = (row_start // 8) * 8
    n_chunks = (row_end - a0 + BE - 1) // BE

    den_scr[...] = jnp.zeros((BN, HEADS), jnp.float32)
    acc_scr[...] = jnp.zeros((BN, HID), jnp.float32)

    iota_n = lax.broadcasted_iota(jnp.int32, (BE, BN), 1)
    iota_e = lax.broadcasted_iota(jnp.int32, (BE, 1), 0)

    def load_chunk(r0):
        cp_d = pltpu.make_async_copy(dst_hbm.at[pl.ds(r0, BE)], dst_scr, sem)
        cp_d.start()
        cp_h = pltpu.make_async_copy(hs_hbm.at[pl.ds(r0, BE)], hs_scr, sem)
        cp_h.start()
        cp_d.wait()
        cp_h.wait()

    def chunk_common(r0):
        ga = jnp.dot(hs_scr[...], as_ref[...],
                     preferred_element_type=jnp.float32)[:, :HEADS]
        local = dst_scr[...] - b * BN
        eidx = iota_e + r0
        valid = (eidx >= row_start) & (eidx < row_end)
        oh = jnp.where(valid & (local == iota_n), 1.0, 0.0)
        gd = lax.dot_general(oh, adst_ref[:, :HEADS],
                             (((1,), (0,)), ((), ())),
                             preferred_element_type=jnp.float32)
        al = ga + gd
        al = jnp.where(al >= 0.0, al, 0.2 * al)
        ex = jnp.where(valid, jnp.exp(al), 0.0)
        return oh, ex, valid

    def pass1(i, carry):
        r0 = a0 + i * BE
        load_chunk(r0)
        oh, ex, _ = chunk_common(r0)
        den_scr[...] += lax.dot_general(oh, ex, (((0,), (0,)), ((), ())),
                                        preferred_element_type=jnp.float32)
        return carry

    lax.fori_loop(0, n_chunks, pass1, 0)

    def pass2(i, carry):
        r0 = a0 + i * BE
        load_chunk(r0)
        oh, ex, valid = chunk_common(r0)
        dd = lax.dot_general(oh, den_scr[...], (((1,), (0,)), ((), ())),
                             preferred_element_type=jnp.float32)
        coef = ex / (dd + 1e-16)
        cexp = jnp.dot(coef, exp_ref[...], preferred_element_type=jnp.float32)
        msg = jnp.where(valid, hs_scr[...] * cexp, 0.0)
        acc_scr[...] += lax.dot_general(oh, msg, (((0,), (0,)), ((), ())),
                                        preferred_element_type=jnp.float32)
        return carry

    lax.fori_loop(0, n_chunks, pass2, 0)
    out_ref[...] = jnp.maximum(acc_scr[...] + bias_ref[...], 0.0)


def _k3(ptr, adst, a_s, expand, bias, hs, dst2d):
    grid_spec = pltpu.PrefetchScalarGridSpec(
        num_scalar_prefetch=1,
        grid=(NP // BN,),
        in_specs=[
            pl.BlockSpec((BN, 16), lambda b, p: (b, 0)),
            pl.BlockSpec((HID, 16), lambda b, p: (0, 0)),
            pl.BlockSpec((HEADS, HID), lambda b, p: (0, 0)),
            pl.BlockSpec((1, HID), lambda b, p: (0, 0)),
            pl.BlockSpec(memory_space=pl.ANY),
            pl.BlockSpec(memory_space=pl.ANY),
        ],
        out_specs=pl.BlockSpec((BN, HID), lambda b, p: (b, 0)),
        scratch_shapes=[
            pltpu.VMEM((BE, HID), jnp.float32),
            pltpu.VMEM((BE, 1), jnp.int32),
            pltpu.VMEM((BN, HEADS), jnp.float32),
            pltpu.VMEM((BN, HID), jnp.float32),
            pltpu.SemaphoreType.DMA,
        ],
    )
    return pl.pallas_call(
        _k3_body,
        grid_spec=grid_spec,
        out_shape=jax.ShapeDtypeStruct((NP, HID), jnp.float32),
    )(ptr, adst, a_s, expand, bias, hs, dst2d)



def _k4_body(h_ref, w_ref, b_ref, out_ref):
    y = jnp.dot(h_ref[...], w_ref[...], preferred_element_type=jnp.float32)
    y = y + b_ref[...]
    m = jnp.max(y, axis=1, keepdims=True)
    s = y - m
    lse = jnp.log(jnp.sum(jnp.exp(s), axis=1, keepdims=True))
    out_ref[...] = s - lse


def _k4(h, wt, bc):
    bn = 512
    out_d = wt.shape[1]
    return pl.pallas_call(
        _k4_body,
        grid=(NP // bn,),
        in_specs=[
            pl.BlockSpec((bn, HID), lambda b: (b, 0)),
            pl.BlockSpec((HID, out_d), lambda b: (0, 0)),
            pl.BlockSpec((1, out_d), lambda b: (0, 0)),
        ],
        out_specs=pl.BlockSpec((bn, out_d), lambda b: (b, 0)),
        out_shape=jax.ShapeDtypeStruct((NP, out_d), jnp.float32),
    )(h, wt, bc)



def _block_att(a):
    m = a[:, :, None] * jnp.eye(HEADS, 16, dtype=jnp.float32)[:, None, :]
    return m.reshape(HID, 16)


def _gat_layer(x_pad, w, a_s, a_d, bias, src_s, ptr, dst2d):
    h, adst = _k1(x_pad, w, _block_att(a_d))
    hs = _sc_gather(h, src_s)
    expand = jnp.repeat(jnp.eye(HEADS, dtype=jnp.float32), F_NUM, axis=1)
    return _k3(ptr, adst, _block_att(a_s), expand, bias.reshape(1, HID),
               hs, dst2d)


def kernel(x, edge_index, W1, as1, ad1, b1, W2, as2, ad2, b2, Wc, bc):
    src = edge_index[0]
    dst = edge_index[1]
    perm = jnp.argsort(dst)
    src_s = src[perm].astype(jnp.int32)
    dst_s = dst[perm].astype(jnp.int32)
    ptr = jnp.searchsorted(dst_s, jnp.arange(NP + 1, dtype=jnp.int32)
                           ).astype(jnp.int32)
    dst2d = jnp.pad(dst_s, (0, E_PAD - E)).reshape(E_PAD, 1)

    x_pad = jnp.pad(x, ((0, NP - N), (0, 0)))
    h1 = _gat_layer(x_pad, W1, as1, ad1, b1, src_s, ptr, dst2d)
    h2 = _gat_layer(h1, W2, as2, ad2, b2, src_s, ptr, dst2d)
    y = _k4(h2, Wc.T, bc.reshape(1, -1))
    return y[:N]

# --- scband reference (transcript-rebuilt; emitter-appended) ---
"""Pipeline reference for scband-gatmodel-27152783245334 (READ-ONLY COPY).

The authoritative reference and input builder live on the scoring server;
editing this copy changes nothing except your own understanding.
"""

import jax, jax.numpy as jnp
import numpy as np

N = 10000
E = 160000
D_IN = 256
HEADS = 8
F_NUM = 64
HID = HEADS * F_NUM
OUT = 256


def setup_inputs(seed: int = 0):
    key = jax.random.key(seed)
    ks = jax.random.split(key, 12)
    s = 0.05
    inp = {}
    inp["x"] = jax.random.normal(ks[0], (N, D_IN), dtype=jnp.float32)
    inp["edge_index"] = jax.random.randint(ks[1], (2, E), 0, N, dtype=jnp.int32)
    inp["W1"] = s * jax.random.normal(ks[2], (D_IN, HID), dtype=jnp.float32)
    inp["as1"] = s * jax.random.normal(ks[3], (HEADS, F_NUM), dtype=jnp.float32)
    inp["ad1"] = s * jax.random.normal(ks[4], (HEADS, F_NUM), dtype=jnp.float32)
    inp["b1"] = jnp.zeros((HID,), dtype=jnp.float32)
    inp["W2"] = s * jax.random.normal(ks[5], (HID, HID), dtype=jnp.float32)
    inp["as2"] = s * jax.random.normal(ks[6], (HEADS, F_NUM), dtype=jnp.float32)
    inp["ad2"] = s * jax.random.normal(ks[7], (HEADS, F_NUM), dtype=jnp.float32)
    inp["b2"] = jnp.zeros((HID,), dtype=jnp.float32)
    inp["Wc"] = s * jax.random.normal(ks[8], (OUT, HID), dtype=jnp.float32)
    inp["bc"] = jnp.zeros((OUT,), dtype=jnp.float32)
    return inp


def _gat_conv(x, edge_index, W, att_src, att_dst, bias):
    # PyG-style GATConv (v1), concat=True, negative_slope=0.2
    src = edge_index[0]
    dst = edge_index[1]
    h = (x @ W).reshape(N, HEADS, F_NUM)
    a_src = (h * att_src[None, :, :]).sum(-1)  # [N, H]
    a_dst = (h * att_dst[None, :, :]).sum(-1)  # [N, H]
    alpha = a_src[src] + a_dst[dst]            # [E, H]
    alpha = jax.nn.leaky_relu(alpha, negative_slope=0.2)
    amax = jax.ops.segment_max(alpha, dst, num_segments=N)
    amax = jnp.where(jnp.isfinite(amax), amax, 0.0)
    ex = jnp.exp(alpha - amax[dst])
    denom = jax.ops.segment_sum(ex, dst, num_segments=N)
    coef = ex / (denom[dst] + 1e-16)
    msg = h[src] * coef[:, :, None]            # [E, H, C]
    out = jax.ops.segment_sum(msg, dst, num_segments=N)
    return out.reshape(N, HID) + bias


def reference(x, edge_index, W1, as1, ad1, b1, W2, as2, ad2, b2, Wc, bc):
    h1 = jax.nn.relu(_gat_conv(x, edge_index, W1, as1, ad1, b1))
    h2 = jax.nn.relu(_gat_conv(h1, edge_index, W2, as2, ad2, b2))
    # Conv1d(HID, OUT, kernel_size=1) == pointwise linear
    y = h2 @ Wc.T + bc
    return jax.nn.log_softmax(y, axis=1)

if __name__ == "__main__":
    import jax
    _d = setup_inputs()
    print(jax.jit(kernel)(*tuple(_d.values())))

</pallas_src>

<mosaic_0001>
#map = affine_map<(d0, d1) -> (0, 0)>
#map1 = affine_map<(d0, d1) -> (0)>
module attributes {stable_mosaic.version = 14 : i64} {
  func.func @gk(%arg0: i32, %arg1: i32, %arg2: memref<10240x512xf32, #tpu.memory_space<hbm>>, %arg3: memref<160000xi32, #tpu.memory_space<hbm>>, %arg4: memref<160512x512xf32, #tpu.memory_space<hbm>>, %arg5: memref<200xi32, #tpu.memory_space<vmem>>, %arg6: memref<200x512xf32, #tpu.memory_space<vmem>>, %arg7: memref<!tpu.dma_semaphore, #tpu.memory_space<semaphore_mem>>) attributes {dimension_semantics = [#tpu.dimension_semantics<core_parallel>, #tpu.dimension_semantics<subcore_parallel>], iteration_bounds = array<i64: 2, 16>, scalar_prefetch = 0 : i64, scratch_operands = 3 : i64, tpu.core_type = #tpu.core_type<sc_vector_subcore>, window_params = [{transform_indices = #map}, {transform_indices = #map1}, {transform_indices = #map}]} {
    %mul3A = arith.constant 2 : i32
    %mul3A_0 = arith.muli %arg1, %mul3A : i32
    %add3A = arith.addi %mul3A_0, %arg0 : i32
    %mul3A_1 = arith.constant 5000 : i32
    %mul3A_2 = arith.muli %add3A, %mul3A_1 : i32
    %scan3A = arith.constant 0 : i32
    %scan3A_3 = arith.constant 0 : i32
    %scan3A_4 = arith.constant 25 : i32
    %scan3A_5 = arith.addi %scan3A_3, %scan3A_4 : i32
    %scan3A_6 = arith.constant 1 : i32
    scf.for %scan3A_8 = %scan3A_3 to %scan3A_5 step %scan3A_6  : i32 {
      %mul3A_9 = arith.constant 200 : i32
      %mul3A_10 = arith.muli %scan3A_8, %mul3A_9 : i32
      %add3A_11 = arith.addi %mul3A_2, %mul3A_10 : i32
      "tpu.region"() ({
        %run_scoped3A = tpu.sem_alloc : memref<!tpu.dma_semaphore, #tpu.memory_space<semaphore_mem>>
        %dma_start3A_16 = tpu.memref_slice %arg3[%add3A_11] : memref<160000xi32, #tpu.memory_space<hbm>> -> memref<200xi32, #tpu.memory_space<hbm>>
        %dma_start3A_17 = tpu.memref_slice %arg3[%add3A_11] : memref<160000xi32, #tpu.memory_space<hbm>> -> memref<200xi32, #tpu.memory_space<hbm>>
        tpu.enqueue_dma source(%dma_start3A_17 : memref<200xi32, #tpu.memory_space<hbm>>) target(%arg5 : memref<200xi32, #tpu.memory_space<vmem>>) target_semaphore(%run_scoped3A : memref<!tpu.dma_semaphore, #tpu.memory_space<semaphore_mem>>)
        %dma_wait3A_18 = tpu.memref_slice %arg3[%add3A_11] : memref<160000xi32, #tpu.memory_space<hbm>> -> memref<200xi32, #tpu.memory_space<hbm>>
        %dma_wait3A_19 = tpu.memref_slice %arg3[%add3A_11] : memref<160000xi32, #tpu.memory_space<hbm>> -> memref<200xi32, #tpu.memory_space<hbm>>
        tpu.wait_dma2 semaphore(%run_scoped3A : memref<!tpu.dma_semaphore, #tpu.memory_space<semaphore_mem>>) src(%dma_wait3A_19 : memref<200xi32, #tpu.memory_space<hbm>>) dst(%arg5 : memref<200xi32, #tpu.memory_space<vmem>>)
        tpu.yield
      }) : () -> ()
      %dma_start3A = arith.constant 0 : i32
      %dma_start3A_12 = arith.constant 0 : i32
      %dma_start3A_13 = tpu.memref_slice %arg2[%dma_start3A, %dma_start3A_12] : memref<10240x512xf32, #tpu.memory_space<hbm>> -> memref<10240x512xf32, #tpu.memory_space<hbm>>
      tpu.enqueue_indirect_dma source(%dma_start3A_13 : memref<10240x512xf32, #tpu.memory_space<hbm>>) target(%arg6 : memref<200x512xf32, #tpu.memory_space<vmem>>) offsets(%arg5 : memref<200xi32, #tpu.memory_space<vmem>>) semaphore(%arg7 : memref<!tpu.dma_semaphore, #tpu.memory_space<semaphore_mem>>)
      %dma_wait3A = arith.constant 0 : i32
      %dma_wait3A_14 = arith.constant 0 : i32
      %dma_wait3A_15 = tpu.memref_slice %arg2[%dma_wait3A, %dma_wait3A_14] : memref<10240x512xf32, #tpu.memory_space<hbm>> -> memref<10240x512xf32, #tpu.memory_space<hbm>>
      tpu.wait_indirect_dma semaphore(%arg7 : memref<!tpu.dma_semaphore, #tpu.memory_space<semaphore_mem>>) src(%dma_wait3A_15 : memref<10240x512xf32, #tpu.memory_space<hbm>>) dst(%arg6 : memref<200x512xf32, #tpu.memory_space<vmem>>)
      "tpu.region"() ({
        %run_scoped3A = tpu.sem_alloc : memref<!tpu.dma_semaphore, #tpu.memory_space<semaphore_mem>>
        %dma_start3A_16 = arith.constant 0 : i32
        %dma_start3A_17 = tpu.memref_slice %arg4[%add3A_11, %dma_start3A_16] : memref<160512x512xf32, #tpu.memory_space<hbm>> -> memref<200x512xf32, #tpu.memory_space<hbm>>
        %dma_start3A_18 = arith.constant 0 : i32
        %dma_start3A_19 = tpu.memref_slice %arg4[%add3A_11, %dma_start3A_18] : memref<160512x512xf32, #tpu.memory_space<hbm>> -> memref<200x512xf32, #tpu.memory_space<hbm>>
        tpu.enqueue_dma source(%arg6 : memref<200x512xf32, #tpu.memory_space<vmem>>) target(%dma_start3A_19 : memref<200x512xf32, #tpu.memory_space<hbm>>) target_semaphore(%run_scoped3A : memref<!tpu.dma_semaphore, #tpu.memory_space<semaphore_mem>>)
        %dma_wait3A_20 = arith.constant 0 : i32
        %dma_wait3A_21 = tpu.memref_slice %arg4[%add3A_11, %dma_wait3A_20] : memref<160512x512xf32, #tpu.memory_space<hbm>> -> memref<200x512xf32, #tpu.memory_space<hbm>>
        %dma_wait3A_22 = arith.constant 0 : i32
        %dma_wait3A_23 = tpu.memref_slice %arg4[%add3A_11, %dma_wait3A_22] : memref<160512x512xf32, #tpu.memory_space<hbm>> -> memref<200x512xf32, #tpu.memory_space<hbm>>
        tpu.wait_dma2 semaphore(%run_scoped3A : memref<!tpu.dma_semaphore, #tpu.memory_space<semaphore_mem>>) src(%arg6 : memref<200x512xf32, #tpu.memory_space<vmem>>) dst(%dma_wait3A_23 : memref<200x512xf32, #tpu.memory_space<hbm>>)
        tpu.yield
      }) : () -> ()
    }
    %scan3A_7 = arith.constant 25 : i32
    return
  }
}

#map = affine_map<(d0, d1) -> (0, 0)>
#map1 = affine_map<(d0, d1) -> (0)>
module attributes {stable_mosaic.version = 14 : i64} {
  func.func @gk(%arg0: i32, %arg1: i32, %arg2: memref<10240x512xf32, #tpu.memory_space<hbm>>, %arg3: memref<160000xi32, #tpu.memory_space<hbm>>, %arg4: memref<160512x512xf32, #tpu.memory_space<hbm>>, %arg5: memref<200xi32, #tpu.memory_space<vmem>>, %arg6: memref<200x512xf32, #tpu.memory_space<vmem>>, %arg7: memref<!tpu.dma_semaphore, #tpu.memory_space<semaphore_mem>>) attributes {dimension_semantics = [#tpu.dimension_semantics<core_parallel>, #tpu.dimension_semantics<subcore_parallel>], iteration_bounds = array<i64: 2, 16>, scalar_prefetch = 0 : i64, scratch_operands = 3 : i64, tpu.core_type = #tpu.core_type<sc_vector_subcore>, window_params = [{transform_indices = #map}, {transform_indices = #map1}, {transform_indices = #map}]} {
    %mul3A = arith.constant 2 : i32
    %mul3A_0 = arith.muli %arg1, %mul3A : i32
    %add3A = arith.addi %mul3A_0, %arg0 : i32
    %mul3A_1 = arith.constant 5000 : i32
    %mul3A_2 = arith.muli %add3A, %mul3A_1 : i32
    %scan3A = arith.constant 0 : i32
    %scan3A_3 = arith.constant 0 : i32
    %scan3A_4 = arith.constant 25 : i32
    %scan3A_5 = arith.addi %scan3A_3, %scan3A_4 : i32
    %scan3A_6 = arith.constant 1 : i32
    scf.for %scan3A_8 = %scan3A_3 to %scan3A_5 step %scan3A_6  : i32 {
      %mul3A_9 = arith.constant 200 : i32
      %mul3A_10 = arith.muli %scan3A_8, %mul3A_9 : i32
      %add3A_11 = arith.addi %mul3A_2, %mul3A_10 : i32
      "tpu.region"() ({
        %run_scoped3A = tpu.sem_alloc : memref<!tpu.dma_semaphore, #tpu.memory_space<semaphore_mem>>
        %dma_start3A_16 = tpu.memref_slice %arg3[%add3A_11] : memref<160000xi32, #tpu.memory_space<hbm>> -> memref<200xi32, #tpu.memory_space<hbm>>
        %dma_start3A_17 = tpu.memref_slice %arg3[%add3A_11] : memref<160000xi32, #tpu.memory_space<hbm>> -> memref<200xi32, #tpu.memory_space<hbm>>
        tpu.enqueue_dma source(%dma_start3A_17 : memref<200xi32, #tpu.memory_space<hbm>>) target(%arg5 : memref<200xi32, #tpu.memory_space<vmem>>) target_semaphore(%run_scoped3A : memref<!tpu.dma_semaphore, #tpu.memory_space<semaphore_mem>>)
        %dma_wait3A_18 = tpu.memref_slice %arg3[%add3A_11] : memref<160000xi32, #tpu.memory_space<hbm>> -> memref<200xi32, #tpu.memory_space<hbm>>
        %dma_wait3A_19 = tpu.memref_slice %arg3[%add3A_11] : memref<160000xi32, #tpu.memory_space<hbm>> -> memref<200xi32, #tpu.memory_space<hbm>>
        tpu.wait_dma2 semaphore(%run_scoped3A : memref<!tpu.dma_semaphore, #tpu.memory_space<semaphore_mem>>) src(%dma_wait3A_19 : memref<200xi32, #tpu.memory_space<hbm>>) dst(%arg5 : memref<200xi32, #tpu.memory_space<vmem>>)
        tpu.yield
      }) : () -> ()
      %dma_start3A = arith.constant 0 : i32
      %dma_start3A_12 = arith.constant 0 : i32
      %dma_start3A_13 = tpu.memref_slice %arg2[%dma_start3A, %dma_start3A_12] : memref<10240x512xf32, #tpu.memory_space<hbm>> -> memref<10240x512xf32, #tpu.memory_space<hbm>>
      tpu.enqueue_indirect_dma source(%dma_start3A_13 : memref<10240x512xf32, #tpu.memory_space<hbm>>) target(%arg6 : memref<200x512xf32, #tpu.memory_space<vmem>>) offsets(%arg5 : memref<200xi32, #tpu.memory_space<vmem>>) semaphore(%arg7 : memref<!tpu.dma_semaphore, #tpu.memory_space<semaphore_mem>>)
      %dma_wait3A = arith.constant 0 : i32
      %dma_wait3A_14 = arith.constant 0 : i32
      %dma_wait3A_15 = tpu.memref_slice %arg2[%dma_wait3A, %dma_wait3A_14] : memref<10240x512xf32, #tpu.memory_space<hbm>> -> memref<10240x512xf32, #tpu.memory_space<hbm>>
      tpu.wait_indirect_dma semaphore(%arg7 : memref<!tpu.dma_semaphore, #tpu.memory_space<semaphore_mem>>) src(%dma_wait3A_15 : memref<10240x512xf32, #tpu.memory_space<hbm>>) dst(%arg6 : memref<200x512xf32, #tpu.memory_space<vmem>>)
      "tpu.region"() ({
        %run_scoped3A = tpu.sem_alloc : memref<!tpu.dma_semaphore, #tpu.memory_space<semaphore_mem>>
        %dma_start3A_16 = arith.constant 0 : i32
        %dma_start3A_17 = tpu.memref_slice %arg4[%add3A_11, %dma_start3A_16] : memref<160512x512xf32, #tpu.memory_space<hbm>> -> memref<200x512xf32, #tpu.memory_space<hbm>>
        %dma_start3A_18 = arith.constant 0 : i32
        %dma_start3A_19 = tpu.memref_slice %arg4[%add3A_11, %dma_start3A_18] : memref<160512x512xf32, #tpu.memory_space<hbm>> -> memref<200x512xf32, #tpu.memory_space<hbm>>
        tpu.enqueue_dma source(%arg6 : memref<200x512xf32, #tpu.memory_space<vmem>>) target(%dma_start3A_19 : memref<200x512xf32, #tpu.memory_space<hbm>>) target_semaphore(%run_scoped3A : memref<!tpu.dma_semaphore, #tpu.memory_space<semaphore_mem>>)
        %dma_wait3A_20 = arith.constant 0 : i32
        %dma_wait3A_21 = tpu.memref_slice %arg4[%add3A_11, %dma_wait3A_20] : memref<160512x512xf32, #tpu.memory_space<hbm>> -> memref<200x512xf32, #tpu.memory_space<hbm>>
        %dma_wait3A_22 = arith.constant 0 : i32
        %dma_wait3A_23 = tpu.memref_slice %arg4[%add3A_11, %dma_wait3A_22] : memref<160512x512xf32, #tpu.memory_space<hbm>> -> memref<200x512xf32, #tpu.memory_space<hbm>>
        tpu.wait_dma2 semaphore(%run_scoped3A : memref<!tpu.dma_semaphore, #tpu.memory_space<semaphore_mem>>) src(%arg6 : memref<200x512xf32, #tpu.memory_space<vmem>>) dst(%dma_wait3A_23 : memref<200x512xf32, #tpu.memory_space<hbm>>)
        tpu.yield
      }) : () -> ()
    }
    %scan3A_7 = arith.constant 25 : i32
    return
  }
}

module attributes {stable_mosaic.version = 14 : i64} {
  func.func @_k1_body(%arg0: i32, %arg1: memref<512x256xf32, #tpu.memory_space<vmem>>, %arg2: memref<256x512xf32, #tpu.memory_space<vmem>>, %arg3: memref<512x16xf32, #tpu.memory_space<vmem>>, %arg4: memref<512x512xf32, #tpu.memory_space<vmem>>, %arg5: memref<512x16xf32, #tpu.memory_space<vmem>>) attributes {dimension_semantics = [#tpu.dimension_semantics<arbitrary>], iteration_bounds = array<i64: 20>, scalar_prefetch = 0 : i64, scratch_operands = 0 : i64, tpu.core_type = #tpu.core_type<tc>, window_params = [{transform_indices = @transform_0, window_bounds = array<i64: 512, 256>}, {pipeline_mode = #tpu.pipeline_mode<synchronous>, transform_indices = @transform_1, window_bounds = array<i64: 256, 512>}, {pipeline_mode = #tpu.pipeline_mode<synchronous>, transform_indices = @transform_2, window_bounds = array<i64: 512, 16>}, {transform_indices = @transform_3, window_bounds = array<i64: 512, 512>}, {transform_indices = @transform_4, window_bounds = array<i64: 512, 16>}]} {
    %get3A = arith.constant 0 : index
    %get3A_0 = arith.constant 0 : index
    %get3A_1 = vector.load %arg1[%get3A, %get3A_0] : memref<512x256xf32, #tpu.memory_space<vmem>>, vector<512x256xf32>
    %get3A_2 = arith.constant 0 : index
    %get3A_3 = arith.constant 0 : index
    %get3A_4 = vector.load %arg2[%get3A_2, %get3A_3] : memref<256x512xf32, #tpu.memory_space<vmem>>, vector<256x512xf32>
    %dot_general3A = arith.constant dense<0.000000e+00> : vector<512x512xf32>
    %dot_general3A_5 = tpu.matmul %get3A_1, %get3A_4, %dot_general3A {dimension_numbers = #tpu.dot_dimension_numbers<[1], [0], [0], [1], [0, 0, 1, 1], [], []>, transpose_lhs_hint = false} : vector<512x256xf32>, vector<256x512xf32>, vector<512x512xf32> -> vector<512x512xf32>
    %swap3A = arith.constant 0 : index
    %swap3A_6 = arith.constant 0 : index
    %swap3A_7 = vector.load %arg4[%swap3A, %swap3A_6] : memref<512x512xf32, #tpu.memory_space<vmem>>, vector<512x512xf32>
    tpu.vector_store %arg4[%swap3A, %swap3A_6], %dot_general3A_5 {strides = array<i32>} : memref<512x512xf32, #tpu.memory_space<vmem>>, vector<512x512xf32>,
    %get3A_8 = arith.constant 0 : index
    %get3A_9 = arith.constant 0 : index
    %get3A_10 = vector.load %arg3[%get3A_8, %get3A_9] : memref<512x16xf32, #tpu.memory_space<vmem>>, vector<512x16xf32>
    %dot_general3A_11 = arith.constant dense<0.000000e+00> : vector<512x16xf32>
    %dot_general3A_12 = tpu.matmul %dot_general3A_5, %get3A_10, %dot_general3A_11 {dimension_numbers = #tpu.dot_dimension_numbers<[1], [0], [0], [1], [0, 0, 1, 1], [], []>, transpose_lhs_hint = false} : vector<512x512xf32>, vector<512x16xf32>, vector<512x16xf32> -> vector<512x16xf32>
    %swap3A_13 = arith.constant 0 : index
    %swap3A_14 = arith.constant 0 : index
    %swap3A_15 = vector.load %arg5[%swap3A_13, %swap3A_14] : memref<512x16xf32, #tpu.memory_space<vmem>>, vector<512x16xf32>
    tpu.vector_store %arg5[%swap3A_13, %swap3A_14], %dot_general3A_12 {strides = array<i32>} : memref<512x16xf32, #tpu.memory_space<vmem>>, vector<512x16xf32>,
    return
  }
  func.func @transform_0(%arg0: i32) -> (i32, i32) {
    %c0_i32 = arith.constant 0 : i32
    %c0_i32_0 = arith.constant 0 : i32
    return %arg0, %c0_i32 : i32, i32
  }
  func.func @transform_1(%arg0: i32) -> (i32, i32) {
    %c0_i32 = arith.constant 0 : i32
    %c0_i32_0 = arith.constant 0 : i32
    %c0_i32_1 = arith.constant 0 : i32
    return %c0_i32, %c0_i32_0 : i32, i32
  }
  func.func @transform_2(%arg0: i32) -> (i32, i32) {
    %c0_i32 = arith.constant 0 : i32
    %c0_i32_0 = arith.constant 0 : i32
    %c0_i32_1 = arith.constant 0 : i32
    return %c0_i32, %c0_i32_0 : i32, i32
  }
  func.func @transform_3(%arg0: i32) -> (i32, i32) {
    %c0_i32 = arith.constant 0 : i32
    %c0_i32_0 = arith.constant 0 : i32
    return %arg0, %c0_i32 : i32, i32
  }
  func.func @transform_4(%arg0: i32) -> (i32, i32) {
    %c0_i32 = arith.constant 0 : i32
    %c0_i32_0 = arith.constant 0 : i32
    return %arg0, %c0_i32 : i32, i32
  }
}

module attributes {stable_mosaic.version = 14 : i64} {
  func.func @_k3_body(%arg0: i32, %arg1: memref<10241xi32, #tpu.memory_space<smem>>, %arg2: memref<256x16xf32, #tpu.memory_space<vmem>>, %arg3: memref<512x16xf32, #tpu.memory_space<vmem>>, %arg4: memref<8x512xf32, #tpu.memory_space<vmem>>, %arg5: memref<1x512xf32, #tpu.memory_space<vmem>>, %arg6: memref<160512x512xf32, #tpu.memory_space<any>>, %arg7: memref<160512x1xi32, #tpu.memory_space<any>>, %arg8: memref<256x512xf32, #tpu.memory_space<vmem>>, %arg9: memref<512x512xf32, #tpu.memory_space<vmem>>, %arg10: memref<512x1xi32, #tpu.memory_space<vmem>>, %arg11: memref<256x8xf32, #tpu.memory_space<vmem>>, %arg12: memref<256x512xf32, #tpu.memory_space<vmem>>, %arg13: memref<!tpu.dma_semaphore, #tpu.memory_space<semaphore_mem>>) attributes {dimension_semantics = [#tpu.dimension_semantics<arbitrary>], iteration_bounds = array<i64: 40>, scalar_prefetch = 1 : i64, scratch_operands = 5 : i64, tpu.core_type = #tpu.core_type<tc>, window_params = [{transform_indices = @transform_0, window_bounds = array<i64: 256, 16>}, {pipeline_mode = #tpu.pipeline_mode<synchronous>, transform_indices = @transform_1, window_bounds = array<i64: 512, 16>}, {pipeline_mode = #tpu.pipeline_mode<synchronous>, transform_indices = @transform_2, window_bounds = array<i64: 8, 512>}, {pipeline_mode = #tpu.pipeline_mode<synchronous>, transform_indices = @transform_3, window_bounds = array<i64: 1, 512>}, {}, {}, {transform_indices = @transform_6, window_bounds = array<i64: 256, 512>}]} {
    %mul3A = arith.constant 256 : i32
    %mul3A_0 = arith.muli %arg0, %mul3A : i32
    %get3A = arith.index_cast %mul3A_0 : i32 to index
    %get3A_1 = memref.load %arg1[%get3A] : memref<10241xi32, #tpu.memory_space<smem>>
    %add3A = arith.constant 1 : i32
    %add3A_2 = arith.addi %arg0, %add3A : i32
    %mul3A_3 = arith.constant 256 : i32
    %mul3A_4 = arith.muli %add3A_2, %mul3A_3 : i32
    %get3A_5 = arith.index_cast %mul3A_4 : i32 to index
    %get3A_6 = memref.load %arg1[%get3A_5] : memref<10241xi32, #tpu.memory_space<smem>>
    %jit3A = arith.constant 8 : i32
    %div3A = arith.divsi %get3A_1, %jit3A : i32
    %sign3A = arith.constant 0 : i32
    %sign3A_7 = arith.cmpi sgt, %get3A_1, %sign3A : i32
    %sign3A_8 = arith.extui %sign3A_7 : i1 to i32
    %sign3A_9 = arith.constant 0 : i32
    %sign3A_10 = arith.cmpi slt, %get3A_1, %sign3A_9 : i32
    %sign3A_11 = arith.extui %sign3A_10 : i1 to i32
    %sign3A_12 = arith.subi %sign3A_8, %sign3A_11 : i32
    %sign3A_13 = arith.constant 0 : i32
    %sign3A_14 = arith.cmpi sgt, %jit3A, %sign3A_13 : i32
    %sign3A_15 = arith.extui %sign3A_14 : i1 to i32
    %sign3A_16 = arith.constant 0 : i32
    %sign3A_17 = arith.cmpi slt, %jit3A, %sign3A_16 : i32
    %sign3A_18 = arith.extui %sign3A_17 : i1 to i32
    %sign3A_19 = arith.subi %sign3A_15, %sign3A_18 : i32
    %ne3A = arith.cmpi ne, %sign3A_12, %sign3A_19 : i32
    %rem3A = arith.remsi %get3A_1, %jit3A : i32
    %ne3A_20 = arith.constant 0 : i32
    %ne3A_21 = arith.cmpi ne, %rem3A, %ne3A_20 : i32
    %and3A = arith.andi %ne3A, %ne3A_21 : i1
    %sub3A = arith.constant 1 : i32
    %sub3A_22 = arith.subi %div3A, %sub3A : i32
    %select_n3A = arith.select %and3A, %sub3A_22, %div3A : i32
    %mul3A_23 = arith.constant 8 : i32
    %mul3A_24 = arith.muli %select_n3A, %mul3A_23 : i32
    %sub3A_25 = arith.subi %get3A_6, %mul3A_24 : i32
    %add3A_26 = arith.constant 512 : i32
    %add3A_27 = arith.addi %sub3A_25, %add3A_26 : i32
    %sub3A_28 = arith.constant 1 : i32
    %sub3A_29 = arith.subi %add3A_27, %sub3A_28 : i32
    %jit3A_30 = arith.constant 512 : i32
    %div3A_31 = arith.divsi %sub3A_29, %jit3A_30 : i32
    %sign3A_32 = arith.constant 0 : i32
    %sign3A_33 = arith.cmpi sgt, %sub3A_29, %sign3A_32 : i32
    %sign3A_34 = arith.extui %sign3A_33 : i1 to i32
    %sign3A_35 = arith.constant 0 : i32
    %sign3A_36 = arith.cmpi slt, %sub3A_29, %sign3A_35 : i32
    %sign3A_37 = arith.extui %sign3A_36 : i1 to i32
    %sign3A_38 = arith.subi %sign3A_34, %sign3A_37 : i32
    %sign3A_39 = arith.constant 0 : i32
    %sign3A_40 = arith.cmpi sgt, %jit3A_30, %sign3A_39 : i32
    %sign3A_41 = arith.extui %sign3A_40 : i1 to i32
    %sign3A_42 = arith.constant 0 : i32
    %sign3A_43 = arith.cmpi slt, %jit3A_30, %sign3A_42 : i32
    %sign3A_44 = arith.extui %sign3A_43 : i1 to i32
    %sign3A_45 = arith.subi %sign3A_41, %sign3A_44 : i32
    %ne3A_46 = arith.cmpi ne, %sign3A_38, %sign3A_45 : i32
    %rem3A_47 = arith.remsi %sub3A_29, %jit3A_30 : i32
    %ne3A_48 = arith.constant 0 : i32
    %ne3A_49 = arith.cmpi ne, %rem3A_47, %ne3A_48 : i32
    %and3A_50 = arith.andi %ne3A_46, %ne3A_49 : i1
    %sub3A_51 = arith.constant 1 : i32
    %sub3A_52 = arith.subi %div3A_31, %sub3A_51 : i32
    %select_n3A_53 = arith.select %and3A_50, %sub3A_52, %div3A_31 : i32
    %broadcast_in_dim3A = arith.constant 0.000000e+00 : f32
    %broadcast_in_dim3A_54 = vector.broadcast %broadcast_in_dim3A : f32 to vector<256x8xf32>
    %swap3A = arith.constant 0 : index
    %swap3A_55 = arith.constant 0 : index
    %swap3A_56 = vector.load %arg11[%swap3A, %swap3A_55] : memref<256x8xf32, #tpu.memory_space<vmem>>, vector<256x8xf32>
    tpu.vector_store %arg11[%swap3A, %swap3A_55], %broadcast_in_dim3A_54 {strides = array<i32>} : memref<256x8xf32, #tpu.memory_space<vmem>>, vector<256x8xf32>,
    %broadcast_in_dim3A_57 = arith.constant 0.000000e+00 : f32
    %broadcast_in_dim3A_58 = vector.broadcast %broadcast_in_dim3A_57 : f32 to vector<256x512xf32>
    %swap3A_59 = arith.constant 0 : index
    %swap3A_60 = arith.constant 0 : index
    %swap3A_61 = vector.load %arg12[%swap3A_59, %swap3A_60] : memref<256x512xf32, #tpu.memory_space<vmem>>, vector<256x512xf32>
    tpu.vector_store %arg12[%swap3A_59, %swap3A_60], %broadcast_in_dim3A_58 {strides = array<i32>} : memref<256x512xf32, #tpu.memory_space<vmem>>, vector<256x512xf32>,
    %iota3A = tpu.iota {dimensions = array<i32: 1>} : vector<512x256xi32>
    %iota3A_62 = tpu.iota {dimensions = array<i32: 0>} : vector<512x1xi32>
    %while3A = arith.constant 0 : i32
    %while3A_63 = arith.constant 0 : i32
    %while3A_64 = arith.subi %select_n3A_53, %while3A_63 : i32
    %while3A_65 = arith.addi %while3A_63, %while3A_64 : i32
    %while3A_66 = arith.constant 1 : i32
    %while3A_67 = arith.divsi %while3A_64, %while3A_66 : i32
    %while3A_68 = arith.muli %while3A_67, %while3A_66 : i32
    %while3A_69 = arith.addi %while3A_63, %while3A_68 : i32
    %while3A_70 = arith.constant 1 : i32
    scf.for %while3A_95 = %while3A_63 to %while3A_69 step %while3A_70  : i32 {
      %mul3A_96 = arith.constant 512 : i32
      %mul3A_97 = arith.muli %while3A_95, %mul3A_96 : i32
      %add3A_98 = arith.addi %mul3A_24, %mul3A_97 : i32
      %dma_start3A = arith.constant 0 : i32
      %dma_start3A_99 = tpu.memref_slice %arg7[%add3A_98, %dma_start3A] : memref<160512x1xi32, #tpu.memory_space<any>> -> memref<512x1xi32, #tpu.memory_space<any>>
      tpu.enqueue_dma source(%dma_start3A_99 : memref<512x1xi32, #tpu.memory_space<any>>) target(%arg10 : memref<512x1xi32, #tpu.memory_space<vmem>>) target_semaphore(%arg13 : memref<!tpu.dma_semaphore, #tpu.memory_space<semaphore_mem>>)
      %dma_start3A_100 = arith.constant 0 : i32
      %dma_start3A_101 = tpu.memref_slice %arg6[%add3A_98, %dma_start3A_100] : memref<160512x512xf32, #tpu.memory_space<any>> -> memref<512x512xf32, #tpu.memory_space<any>>
      tpu.enqueue_dma source(%dma_start3A_101 : memref<512x512xf32, #tpu.memory_space<any>>) target(%arg9 : memref<512x512xf32, #tpu.memory_space<vmem>>) target_semaphore(%arg13 : memref<!tpu.dma_semaphore, #tpu.memory_space<semaphore_mem>>)
      %dma_wait3A = arith.constant 0 : i32
      %dma_wait3A_102 = tpu.memref_slice %arg7[%add3A_98, %dma_wait3A] : memref<160512x1xi32, #tpu.memory_space<any>> -> memref<512x1xi32, #tpu.memory_space<any>>
      tpu.wait_dma2 semaphore(%arg13 : memref<!tpu.dma_semaphore, #tpu.memory_space<semaphore_mem>>) src(%dma_wait3A_102 : memref<512x1xi32, #tpu.memory_space<any>>) dst(%arg10 : memref<512x1xi32, #tpu.memory_space<vmem>>)
      %dma_wait3A_103 = arith.constant 0 : i32
      %dma_wait3A_104 = tpu.memref_slice %arg6[%add3A_98, %dma_wait3A_103] : memref<160512x512xf32, #tpu.memory_space<any>> -> memref<512x512xf32, #tpu.memory_space<any>>
      tpu.wait_dma2 semaphore(%arg13 : memref<!tpu.dma_semaphore, #tpu.memory_space<semaphore_mem>>) src(%dma_wait3A_104 : memref<512x512xf32, #tpu.memory_space<any>>) dst(%arg9 : memref<512x512xf32, #tpu.memory_space<vmem>>)
      %get3A_105 = arith.constant 0 : index
      %get3A_106 = arith.constant 0 : index
      %get3A_107 = vector.load %arg9[%get3A_105, %get3A_106] : memref<512x512xf32, #tpu.memory_space<vmem>>, vector<512x512xf32>
      %get3A_108 = arith.constant 0 : index
      %get3A_109 = arith.constant 0 : index
      %get3A_110 = vector.load %arg3[%get3A_108, %get3A_109] : memref<512x16xf32, #tpu.memory_space<vmem>>, vector<512x16xf32>
      %dot_general3A = arith.constant dense<0.000000e+00> : vector<512x16xf32>
      %dot_general3A_111 = tpu.matmul %get3A_107, %get3A_110, %dot_general3A {dimension_numbers = #tpu.dot_dimension_numbers<[1], [0], [0], [1], [0, 0, 1, 1], [], []>, transpose_lhs_hint = false} : vector<512x512xf32>, vector<512x16xf32>, vector<512x16xf32> -> vector<512x16xf32>
      %slice3A = vector.extract_strided_slice %dot_general3A_111 {offsets = [0, 0], sizes = [512, 8], strides = [1, 1]} : vector<512x16xf32> to vector<512x8xf32>
      %get3A_112 = arith.constant 0 : index
      %get3A_113 = arith.constant 0 : index
      %get3A_114 = vector.load %arg10[%get3A_112, %get3A_113] : memref<512x1xi32, #tpu.memory_space<vmem>>, vector<512x1xi32>
      %mul3A_115 = arith.constant 256 : i32
      %mul3A_116 = arith.muli %arg0, %mul3A_115 : i32
      %sub3A_117 = vector.broadcast %mul3A_116 : i32 to vector<512x1xi32>
      %sub3A_118 = arith.subi %get3A_114, %sub3A_117 : vector<512x1xi32>
      %add3A_119 = vector.broadcast %add3A_98 : i32 to vector<512x1xi32>
      %add3A_120 = arith.addi %iota3A_62, %add3A_119 : vector<512x1xi32>
      %ge3A = vector.broadcast %get3A_1 : i32 to vector<512x1xi32>
      %ge3A_121 = arith.cmpi sge, %add3A_120, %ge3A : vector<512x1xi32>
      %lt3A = vector.broadcast %get3A_6 : i32 to vector<512x1xi32>
      %lt3A_122 = arith.cmpi slt, %add3A_120, %lt3A : vector<512x1xi32>
      %and3A_123 = arith.andi %ge3A_121, %lt3A_122 : vector<512x1xi1>
      %eq3A = vector.broadcast %sub3A_118 : vector<512x1xi32> to vector<512x256xi32>
      %eq3A_124 = arith.cmpi eq, %eq3A, %iota3A : vector<512x256xi32>
      %and3A_125 = vector.broadcast %and3A_123 : vector<512x1xi1> to vector<512x256xi1>
      %and3A_126 = arith.andi %and3A_125, %eq3A_124 : vector<512x256xi1>
      %jit3A_127 = arith.constant 1.000000e+00 : f32
      %jit3A_128 = arith.constant 0.000000e+00 : f32
      %broadcast_in_dim3A_129 = vector.broadcast %jit3A_127 : f32 to vector<512x256xf32>
      %broadcast_in_dim3A_130 = vector.broadcast %jit3A_128 : f32 to vector<512x256xf32>
      %select_n3A_131 = arith.select %and3A_126, %broadcast_in_dim3A_129, %broadcast_in_dim3A_130 : vector<512x256xi1>, vector<512x256xf32>
      %get3A_132 = arith.constant 0 : index
      %get3A_133 = arith.constant 0 : index
      %get3A_134 = vector.load %arg2[%get3A_132, %get3A_133] : memref<256x16xf32, #tpu.memory_space<vmem>>, vector<256x8xf32>
      %dot_general3A_135 = arith.constant dense<0.000000e+00> : vector<512x8xf32>
      %dot_general3A_136 = tpu.matmul %select_n3A_131, %get3A_134, %dot_general3A_135 {dimension_numbers = #tpu.dot_dimension_numbers<[1], [0], [0], [1], [0, 0, 1, 1], [], []>, transpose_lhs_hint = false} : vector<512x256xf32>, vector<256x8xf32>, vector<512x8xf32> -> vector<512x8xf32>
      %add3A_137 = arith.addf %slice3A, %dot_general3A_136 : vector<512x8xf32>
      %ge3A_138 = arith.constant 0.000000e+00 : f32
      %ge3A_139 = vector.broadcast %ge3A_138 : f32 to vector<512x8xf32>
      %ge3A_140 = arith.cmpf oge, %add3A_137, %ge3A_139 : vector<512x8xf32>
      %mul3A_141 = arith.constant 2.000000e-01 : f32
      %mul3A_142 = vector.broadcast %mul3A_141 : f32 to vector<512x8xf32>
      %mul3A_143 = arith.mulf %mul3A_142, %add3A_137 : vector<512x8xf32>
      %select_n3A_144 = arith.select %ge3A_140, %add3A_137, %mul3A_143 : vector<512x8xi1>, vector<512x8xf32>
      %exp3A = math.exp %select_n3A_144 : vector<512x8xf32>
      %jit3A_145 = arith.constant 0.000000e+00 : f32
      %broadcast_in_dim3A_146 = vector.shape_cast %and3A_123 : vector<512x1xi1> to vector<512x1xi1>
      %broadcast_in_dim3A_147 = vector.broadcast %broadcast_in_dim3A_146 : vector<512x1xi1> to vector<512x8xi1>
      %broadcast_in_dim3A_148 = vector.broadcast %jit3A_145 : f32 to vector<512x8xf32>
      %select_n3A_149 = arith.select %broadcast_in_dim3A_147, %exp3A, %broadcast_in_dim3A_148 : vector<512x8xi1>, vector<512x8xf32>
      %get3A_150 = arith.constant 0 : index
      %get3A_151 = arith.constant 0 : index
      %get3A_152 = vector.load %arg11[%get3A_150, %get3A_151] : memref<256x8xf32, #tpu.memory_space<vmem>>, vector<256x8xf32>
      %dot_general3A_153 = arith.constant dense<0.000000e+00> : vector<256x8xf32>
      %dot_general3A_154 = tpu.matmul %select_n3A_131, %select_n3A_149, %dot_general3A_153 {dimension_numbers = #tpu.dot_dimension_numbers<[0], [0], [1], [1], [0, 1, 1, 1], [], []>, transpose_lhs_hint = false} : vector<512x256xf32>, vector<512x8xf32>, vector<256x8xf32> -> vector<256x8xf32>
      %add3A_155 = arith.addf %get3A_152, %dot_general3A_154 : vector<256x8xf32>
      %swap3A_156 = arith.constant 0 : index
      %swap3A_157 = arith.constant 0 : index
      %swap3A_158 = vector.load %arg11[%swap3A_156, %swap3A_157] : memref<256x8xf32, #tpu.memory_space<vmem>>, vector<256x8xf32>
      tpu.vector_store %arg11[%swap3A_156, %swap3A_157], %add3A_155 {strides = array<i32>} : memref<256x8xf32, #tpu.memory_space<vmem>>, vector<256x8xf32>,
    }
    %while3A_71 = arith.constant 1 : i32
    scf.for %while3A_95 = %while3A_69 to %while3A_65 step %while3A_71  : i32 {
      %mul3A_96 = arith.constant 512 : i32
      %mul3A_97 = arith.muli %while3A_95, %mul3A_96 : i32
      %add3A_98 = arith.addi %mul3A_24, %mul3A_97 : i32
      %dma_start3A = arith.constant 0 : i32
      %dma_start3A_99 = tpu.memref_slice %arg7[%add3A_98, %dma_start3A] : memref<160512x1xi32, #tpu.memory_space<any>> -> memref<512x1xi32, #tpu.memory_space<any>>
      tpu.enqueue_dma source(%dma_start3A_99 : memref<512x1xi32, #tpu.memory_space<any>>) target(%arg10 : memref<512x1xi32, #tpu.memory_space<vmem>>) target_semaphore(%arg13 : memref<!tpu.dma_semaphore, #tpu.memory_space<semaphore_mem>>)
      %dma_start3A_100 = arith.constant 0 : i32
      %dma_start3A_101 = tpu.memref_slice %arg6[%add3A_98, %dma_start3A_100] : memref<160512x512xf32, #tpu.memory_space<any>> -> memref<512x512xf32, #tpu.memory_space<any>>
      tpu.enqueue_dma source(%dma_start3A_101 : memref<512x512xf32, #tpu.memory_space<any>>) target(%arg9 : memref<512x512xf32, #tpu.memory_space<vmem>>) target_semaphore(%arg13 : memref<!tpu.dma_semaphore, #tpu.memory_space<semaphore_mem>>)
      %dma_wait3A = arith.constant 0 : i32
      %dma_wait3A_102 = tpu.memref_slice %arg7[%add3A_98, %dma_wait3A] : memref<160512x1xi32, #tpu.memory_space<any>> -> memref<512x1xi32, #tpu.memory_space<any>>
      tpu.wait_dma2 semaphore(%arg13 : memref<!tpu.dma_semaphore, #tpu.memory_space<semaphore_mem>>) src(%dma_wait3A_102 : memref<512x1xi32, #tpu.memory_space<any>>) dst(%arg10 : memref<512x1xi32, #tpu.memory_space<vmem>>)
      %dma_wait3A_103 = arith.constant 0 : i32
      %dma_wait3A_104 = tpu.memref_slice %arg6[%add3A_98, %dma_wait3A_103] : memref<160512x512xf32, #tpu.memory_space<any>> -> memref<512x512xf32, #tpu.memory_space<any>>
      tpu.wait_dma2 semaphore(%arg13 : memref<!tpu.dma_semaphore, #tpu.memory_space<semaphore_mem>>) src(%dma_wait3A_104 : memref<512x512xf32, #tpu.memory_space<any>>) dst(%arg9 : memref<512x512xf32, #tpu.memory_space<vmem>>)
      %get3A_105 = arith.constant 0 : index
      %get3A_106 = arith.constant 0 : index
      %get3A_107 = vector.load %arg9[%get3A_105, %get3A_106] : memref<512x512xf32, #tpu.memory_space<vmem>>, vector<512x512xf32>
      %get3A_108 = arith.constant 0 : index
      %get3A_109 = arith.constant 0 : index
      %get3A_110 = vector.load %arg3[%get3A_108, %get3A_109] : memref<512x16xf32, #tpu.memory_space<vmem>>, vector<512x16xf32>
      %dot_general3A = arith.constant dense<0.000000e+00> : vector<512x16xf32>
      %dot_general3A_111 = tpu.matmul %get3A_107, %get3A_110, %dot_general3A {dimension_numbers = #tpu.dot_dimension_numbers<[1], [0], [0], [1], [0, 0, 1, 1], [], []>, transpose_lhs_hint = false} : vector<512x512xf32>, vector<512x16xf32>, vector<512x16xf32> -> vector<512x16xf32>
      %slice3A = vector.extract_strided_slice %dot_general3A_111 {offsets = [0, 0], sizes = [512, 8], strides = [1, 1]} : vector<512x16xf32> to vector<512x8xf32>
      %get3A_112 = arith.constant 0 : index
      %get3A_113 = arith.constant 0 : index
      %get3A_114 = vector.load %arg10[%get3A_112, %get3A_113] : memref<512x1xi32, #tpu.memory_space<vmem>>, vector<512x1xi32>
      %mul3A_115 = arith.constant 256 : i32
      %mul3A_116 = arith.muli %arg0, %mul3A_115 : i32
      %sub3A_117 = vector.broadcast %mul3A_116 : i32 to vector<512x1xi32>
      %sub3A_118 = arith.subi %get3A_114, %sub3A_117 : vector<512x1xi32>
      %add3A_119 = vector.broadcast %add3A_98 : i32 to vector<512x1xi32>
      %add3A_120 = arith.addi %iota3A_62, %add3A_119 : vector<512x1xi32>
      %ge3A = vector.broadcast %get3A_1 : i32 to vector<512x1xi32>
      %ge3A_121 = arith.cmpi sge, %add3A_120, %ge3A : vector<512x1xi32>
      %lt3A = vector.broadcast %get3A_6 : i32 to vector<512x1xi32>
      %lt3A_122 = arith.cmpi slt, %add3A_120, %lt3A : vector<512x1xi32>
      %and3A_123 = arith.andi %ge3A_121, %lt3A_122 : vector<512x1xi1>
      %eq3A = vector.broadcast %sub3A_118 : vector<512x1xi32> to vector<512x256xi32>
      %eq3A_124 = arith.cmpi eq, %eq3A, %iota3A : vector<512x256xi32>
      %and3A_125 = vector.broadcast %and3A_123 : vector<512x1xi1> to vector<512x256xi1>
      %and3A_126 = arith.andi %and3A_125, %eq3A_124 : vector<512x256xi1>
      %jit3A_127 = arith.constant 1.000000e+00 : f32
      %jit3A_128 = arith.constant 0.000000e+00 : f32
      %broadcast_in_dim3A_129 = vector.broadcast %jit3A_127 : f32 to vector<512x256xf32>
      %broadcast_in_dim3A_130 = vector.broadcast %jit3A_128 : f32 to vector<512x256xf32>
      %select_n3A_131 = arith.select %and3A_126, %broadcast_in_dim3A_129, %broadcast_in_dim3A_130 : vector<512x256xi1>, vector<512x256xf32>
      %get3A_132 = arith.constant 0 : index
      %get3A_133 = arith.constant 0 : index
      %get3A_134 = vector.load %arg2[%get3A_132, %get3A_133] : memref<256x16xf32, #tpu.memory_space<vmem>>, vector<256x8xf32>
      %dot_general3A_135 = arith.constant dense<0.000000e+00> : vector<512x8xf32>
      %dot_general3A_136 = tpu.matmul %select_n3A_131, %get3A_134, %dot_general3A_135 {dimension_numbers = #tpu.dot_dimension_numbers<[1], [0], [0], [1], [0, 0, 1, 1], [], []>, transpose_lhs_hint = false} : vector<512x256xf32>, vector<256x8xf32>, vector<512x8xf32> -> vector<512x8xf32>
      %add3A_137 = arith.addf %slice3A, %dot_general3A_136 : vector<512x8xf32>
      %ge3A_138 = arith.constant 0.000000e+00 : f32
      %ge3A_139 = vector.broadcast %ge3A_138 : f32 to vector<512x8xf32>
      %ge3A_140 = arith.cmpf oge, %add3A_137, %ge3A_139 : vector<512x8xf32>
      %mul3A_141 = arith.constant 2.000000e-01 : f32
      %mul3A_142 = vector.broadcast %mul3A_141 : f32 to vector<512x8xf32>
      %mul3A_143 = arith.mulf %mul3A_142, %add3A_137 : vector<512x8xf32>
      %select_n3A_144 = arith.select %ge3A_140, %add3A_137, %mul3A_143 : vector<512x8xi1>, vector<512x8xf32>
      %exp3A = math.exp %select_n3A_144 : vector<512x8xf32>
      %jit3A_145 = arith.constant 0.000000e+00 : f32
      %broadcast_in_dim3A_146 = vector.shape_cast %and3A_123 : vector<512x1xi1> to vector<512x1xi1>
      %broadcast_in_dim3A_147 = vector.broadcast %broadcast_in_dim3A_146 : vector<512x1xi1> to vector<512x8xi1>
      %broadcast_in_dim3A_148 = vector.broadcast %jit3A_145 : f32 to vector<512x8xf32>
      %select_n3A_149 = arith.select %broadcast_in_dim3A_147, %exp3A, %broadcast_in_dim3A_148 : vector<512x8xi1>, vector<512x8xf32>
      %get3A_150 = arith.constant 0 : index
      %get3A_151 = arith.constant 0 : index
      %get3A_152 = vector.load %arg11[%get3A_150, %get3A_151] : memref<256x8xf32, #tpu.memory_space<vmem>>, vector<256x8xf32>
      %dot_general3A_153 = arith.constant dense<0.000000e+00> : vector<256x8xf32>
      %dot_general3A_154 = tpu.matmul %select_n3A_131, %select_n3A_149, %dot_general3A_153 {dimension_numbers = #tpu.dot_dimension_numbers<[0], [0], [1], [1], [0, 1, 1, 1], [], []>, transpose_lhs_hint = false} : vector<512x256xf32>, vector<512x8xf32>, vector<256x8xf32> -> vector<256x8xf32>
      %add3A_155 = arith.addf %get3A_152, %dot_general3A_154 : vector<256x8xf32>
      %swap3A_156 = arith.constant 0 : index
      %swap3A_157 = arith.constant 0 : index
      %swap3A_158 = vector.load %arg11[%swap3A_156, %swap3A_157] : memref<256x8xf32, #tpu.memory_space<vmem>>, vector<256x8xf32>
      tpu.vector_store %arg11[%swap3A_156, %swap3A_157], %add3A_155 {strides = array<i32>} : memref<256x8xf32, #tpu.memory_space<vmem>>, vector<256x8xf32>,
    }
    %while3A_72 = arith.constant 0 : i32
    %while3A_73 = arith.constant 0 : i32
    %while3A_74 = arith.subi %select_n3A_53, %while3A_73 : i32
    %while3A_75 = arith.addi %while3A_73, %while3A_74 : i32
    %while3A_76 = arith.constant 1 : i32
    %while3A_77 = arith.divsi %while3A_74, %while3A_76 : i32
    %while3A_78 = arith.muli %while3A_77, %while3A_76 : i32
    %while3A_79 = arith.addi %while3A_73, %while3A_78 : i32
    %while3A_80 = arith.constant 1 : i32
    scf.for %while3A_95 = %while3A_73 to %while3A_79 step %while3A_80  : i32 {
      %mul3A_96 = arith.constant 512 : i32
      %mul3A_97 = arith.muli %while3A_95, %mul3A_96 : i32
      %add3A_98 = arith.addi %mul3A_24, %mul3A_97 : i32
      %dma_start3A = arith.constant 0 : i32
      %dma_start3A_99 = tpu.memref_slice %arg7[%add3A_98, %dma_start3A] : memref<160512x1xi32, #tpu.memory_space<any>> -> memref<512x1xi32, #tpu.memory_space<any>>
      tpu.enqueue_dma source(%dma_start3A_99 : memref<512x1xi32, #tpu.memory_space<any>>) target(%arg10 : memref<512x1xi32, #tpu.memory_space<vmem>>) target_semaphore(%arg13 : memref<!tpu.dma_semaphore, #tpu.memory_space<semaphore_mem>>)
      %dma_start3A_100 = arith.constant 0 : i32
      %dma_start3A_101 = tpu.memref_slice %arg6[%add3A_98, %dma_start3A_100] : memref<160512x512xf32, #tpu.memory_space<any>> -> memref<512x512xf32, #tpu.memory_space<any>>
      tpu.enqueue_dma source(%dma_start3A_101 : memref<512x512xf32, #tpu.memory_space<any>>) target(%arg9 : memref<512x512xf32, #tpu.memory_space<vmem>>) target_semaphore(%arg13 : memref<!tpu.dma_semaphore, #tpu.memory_space<semaphore_mem>>)
      %dma_wait3A = arith.constant 0 : i32
      %dma_wait3A_102 = tpu.memref_slice %arg7[%add3A_98, %dma_wait3A] : memref<160512x1xi32, #tpu.memory_space<any>> -> memref<512x1xi32, #tpu.memory_space<any>>
      tpu.wait_dma2 semaphore(%arg13 : memref<!tpu.dma_semaphore, #tpu.memory_space<semaphore_mem>>) src(%dma_wait3A_102 : memref<512x1xi32, #tpu.memory_space<any>>) dst(%arg10 : memref<512x1xi32, #tpu.memory_space<vmem>>)
      %dma_wait3A_103 = arith.constant 0 : i32
      %dma_wait3A_104 = tpu.memref_slice %arg6[%add3A_98, %dma_wait3A_103] : memref<160512x512xf32, #tpu.memory_space<any>> -> memref<512x512xf32, #tpu.memory_space<any>>
      tpu.wait_dma2 semaphore(%arg13 : memref<!tpu.dma_semaphore, #tpu.memory_space<semaphore_mem>>) src(%dma_wait3A_104 : memref<512x512xf32, #tpu.memory_space<any>>) dst(%arg9 : memref<512x512xf32, #tpu.memory_space<vmem>>)
      %get3A_105 = arith.constant 0 : index
      %get3A_106 = arith.constant 0 : index
      %get3A_107 = vector.load %arg9[%get3A_105, %get3A_106] : memref<512x512xf32, #tpu.memory_space<vmem>>, vector<512x512xf32>
      %get3A_108 = arith.constant 0 : index
      %get3A_109 = arith.constant 0 : index
      %get3A_110 = vector.load %arg3[%get3A_108, %get3A_109] : memref<512x16xf32, #tpu.memory_space<vmem>>, vector<512x16xf32>
      %dot_general3A = arith.constant dense<0.000000e+00> : vector<512x16xf32>
      %dot_general3A_111 = tpu.matmul %get3A_107, %get3A_110, %dot_general3A {dimension_numbers = #tpu.dot_dimension_numbers<[1], [0], [0], [1], [0, 0, 1, 1], [], []>, transpose_lhs_hint = false} : vector<512x512xf32>, vector<512x16xf32>, vector<512x16xf32> -> vector<512x16xf32>
      %slice3A = vector.extract_strided_slice %dot_general3A_111 {offsets = [0, 0], sizes = [512, 8], strides = [1, 1]} : vector<512x16xf32> to vector<512x8xf32>
      %get3A_112 = arith.constant 0 : index
      %get3A_113 = arith.constant 0 : index
      %get3A_114 = vector.load %arg10[%get3A_112, %get3A_113] : memref<512x1xi32, #tpu.memory_space<vmem>>, vector<512x1xi32>
      %mul3A_115 = arith.constant 256 : i32
      %mul3A_116 = arith.muli %arg0, %mul3A_115 : i32
      %sub3A_117 = vector.broadcast %mul3A_116 : i32 to vector<512x1xi32>
      %sub3A_118 = arith.subi %get3A_114, %sub3A_117 : vector<512x1xi32>
      %add3A_119 = vector.broadcast %add3A_98 : i32 to vector<512x1xi32>
      %add3A_120 = arith.addi %iota3A_62, %add3A_119 : vector<512x1xi32>
      %ge3A = vector.broadcast %get3A_1 : i32 to vector<512x1xi32>
      %ge3A_121 = arith.cmpi sge, %add3A_120, %ge3A : vector<512x1xi32>
      %lt3A = vector.broadcast %get3A_6 : i32 to vector<512x1xi32>
      %lt3A_122 = arith.cmpi slt, %add3A_120, %lt3A : vector<512x1xi32>
      %and3A_123 = arith.andi %ge3A_121, %lt3A_122 : vector<512x1xi1>
      %eq3A = vector.broadcast %sub3A_118 : vector<512x1xi32> to vector<512x256xi32>
      %eq3A_124 = arith.cmpi eq, %eq3A, %iota3A : vector<512x256xi32>
      %and3A_125 = vector.broadcast %and3A_123 : vector<512x1xi1> to vector<512x256xi1>
      %and3A_126 = arith.andi %and3A_125, %eq3A_124 : vector<512x256xi1>
      %jit3A_127 = arith.constant 1.000000e+00 : f32
      %jit3A_128 = arith.constant 0.000000e+00 : f32
      %broadcast_in_dim3A_129 = vector.broadcast %jit3A_127 : f32 to vector<512x256xf32>
      %broadcast_in_dim3A_130 = vector.broadcast %jit3A_128 : f32 to vector<512x256xf32>
      %select_n3A_131 = arith.select %and3A_126, %broadcast_in_dim3A_129, %broadcast_in_dim3A_130 : vector<512x256xi1>, vector<512x256xf32>
      %get3A_132 = arith.constant 0 : index
      %get3A_133 = arith.constant 0 : index
      %get3A_134 = vector.load %arg2[%get3A_132, %get3A_133] : memref<256x16xf32, #tpu.memory_space<vmem>>, vector<256x8xf32>
      %dot_general3A_135 = arith.constant dense<0.000000e+00> : vector<512x8xf32>
      %dot_general3A_136 = tpu.matmul %select_n3A_131, %get3A_134, %dot_general3A_135 {dimension_numbers = #tpu.dot_dimension_numbers<[1], [0], [0], [1], [0, 0, 1, 1], [], []>, transpose_lhs_hint = false} : vector<512x256xf32>, vector<256x8xf32>, vector<512x8xf32> -> vector<512x8xf32>
      %add3A_137 = arith.addf %slice3A, %dot_general3A_136 : vector<512x8xf32>
      %ge3A_138 = arith.constant 0.000000e+00 : f32
      %ge3A_139 = vector.broadcast %ge3A_138 : f32 to vector<512x8xf32>
      %ge3A_140 = arith.cmpf oge, %add3A_137, %ge3A_139 : vector<512x8xf32>
      %mul3A_141 = arith.constant 2.000000e-01 : f32
      %mul3A_142 = vector.broadcast %mul3A_141 : f32 to vector<512x8xf32>
      %mul3A_143 = arith.mulf %mul3A_142, %add3A_137 : vector<512x8xf32>
      %select_n3A_144 = arith.select %ge3A_140, %add3A_137, %mul3A_143 : vector<512x8xi1>, vector<512x8xf32>
      %exp3A = math.exp %select_n3A_144 : vector<512x8xf32>
      %jit3A_145 = arith.constant 0.000000e+00 : f32
      %broadcast_in_dim3A_146 = vector.shape_cast %and3A_123 : vector<512x1xi1> to vector<512x1xi1>
      %broadcast_in_dim3A_147 = vector.broadcast %broadcast_in_dim3A_146 : vector<512x1xi1> to vector<512x8xi1>
      %broadcast_in_dim3A_148 = vector.broadcast %jit3A_145 : f32 to vector<512x8xf32>
      %select_n3A_149 = arith.select %broadcast_in_dim3A_147, %exp3A, %broadcast_in_dim3A_148 : vector<512x8xi1>, vector<512x8xf32>
      %get3A_150 = arith.constant 0 : index
      %get3A_151 = arith.constant 0 : index
      %get3A_152 = vector.load %arg11[%get3A_150, %get3A_151] : memref<256x8xf32, #tpu.memory_space<vmem>>, vector<256x8xf32>
      %dot_general3A_153 = arith.constant dense<0.000000e+00> : vector<512x8xf32>
      %dot_general3A_154 = tpu.matmul %select_n3A_131, %get3A_152, %dot_general3A_153 {dimension_numbers = #tpu.dot_dimension_numbers<[1], [0], [0], [1], [0, 0, 1, 1], [], []>, transpose_lhs_hint = false} : vector<512x256xf32>, vector<256x8xf32>, vector<512x8xf32> -> vector<512x8xf32>
      %add3A_155 = arith.constant 1.000000e-16 : f32
      %add3A_156 = vector.broadcast %add3A_155 : f32 to vector<512x8xf32>
      %add3A_157 = arith.addf %dot_general3A_154, %add3A_156 : vector<512x8xf32>
      %div3A_158 = arith.divf %select_n3A_149, %add3A_157 : vector<512x8xf32>
      %get3A_159 = arith.constant 0 : index
      %get3A_160 = arith.constant 0 : index
      %get3A_161 = vector.load %arg4[%get3A_159, %get3A_160] : memref<8x512xf32, #tpu.memory_space<vmem>>, vector<8x512xf32>
      %dot_general3A_162 = arith.constant dense<0.000000e+00> : vector<512x512xf32>
      %dot_general3A_163 = tpu.matmul %div3A_158, %get3A_161, %dot_general3A_162 {dimension_numbers = #tpu.dot_dimension_numbers<[1], [0], [0], [1], [0, 0, 1, 1], [], []>, transpose_lhs_hint = false} : vector<512x8xf32>, vector<8x512xf32>, vector<512x512xf32> -> vector<512x512xf32>
      %get3A_164 = arith.constant 0 : index
      %get3A_165 = arith.constant 0 : index
      %get3A_166 = vector.load %arg9[%get3A_164, %get3A_165] : memref<512x512xf32, #tpu.memory_space<vmem>>, vector<512x512xf32>
      %mul3A_167 = arith.mulf %get3A_166, %dot_general3A_163 : vector<512x512xf32>
      %jit3A_168 = arith.constant 0.000000e+00 : f32
      %broadcast_in_dim3A_169 = vector.shape_cast %and3A_123 : vector<512x1xi1> to vector<512x1xi1>
      %broadcast_in_dim3A_170 = vector.broadcast %broadcast_in_dim3A_169 : vector<512x1xi1> to vector<512x512xi1>
      %broadcast_in_dim3A_171 = vector.broadcast %jit3A_168 : f32 to vector<512x512xf32>
      %select_n3A_172 = arith.select %broadcast_in_dim3A_170, %mul3A_167, %broadcast_in_dim3A_171 : vector<512x512xi1>, vector<512x512xf32>
      %get3A_173 = arith.constant 0 : index
      %get3A_174 = arith.constant 0 : index
      %get3A_175 = vector.load %arg12[%get3A_173, %get3A_174] : memref<256x512xf32, #tpu.memory_space<vmem>>, vector<256x512xf32>
      %dot_general3A_176 = arith.constant dense<0.000000e+00> : vector<256x512xf32>
      %dot_general3A_177 = tpu.matmul %select_n3A_131, %select_n3A_172, %dot_general3A_176 {dimension_numbers = #tpu.dot_dimension_numbers<[0], [0], [1], [1], [0, 1, 1, 1], [], []>, transpose_lhs_hint = false} : vector<512x256xf32>, vector<512x512xf32>, vector<256x512xf32> -> vector<256x512xf32>
      %add3A_178 = arith.addf %get3A_175, %dot_general3A_177 : vector<256x512xf32>
      %swap3A_179 = arith.constant 0 : index
      %swap3A_180 = arith.constant 0 : index
      %swap3A_181 = vector.load %arg12[%swap3A_179, %swap3A_180] : memref<256x512xf32, #tpu.memory_space<vmem>>, vector<256x512xf32>
      tpu.vector_store %arg12[%swap3A_179, %swap3A_180], %add3A_178 {strides = array<i32>} : memref<256x512xf32, #tpu.memory_space<vmem>>, vector<256x512xf32>,
    }
    %while3A_81 = arith.constant 1 : i32
    scf.for %while3A_95 = %while3A_79 to %while3A_75 step %while3A_81  : i32 {
      %mul3A_96 = arith.constant 512 : i32
      %mul3A_97 = arith.muli %while3A_95, %mul3A_96 : i32
      %add3A_98 = arith.addi %mul3A_24, %mul3A_97 : i32
      %dma_start3A = arith.constant 0 : i32
      %dma_start3A_99 = tpu.memref_slice %arg7[%add3A_98, %dma_start3A] : memref<160512x1xi32, #tpu.memory_space<any>> -> memref<512x1xi32, #tpu.memory_space<any>>
      tpu.enqueue_dma source(%dma_start3A_99 : memref<512x1xi32, #tpu.memory_space<any>>) target(%arg10 : memref<512x1xi32, #tpu.memory_space<vmem>>) target_semaphore(%arg13 : memref<!tpu.dma_semaphore, #tpu.memory_space<semaphore_mem>>)
      %dma_start3A_100 = arith.constant 0 : i32
      %dma_start3A_101 = tpu.memref_slice %arg6[%add3A_98, %dma_start3A_100] : memref<160512x512xf32, #tpu.memory_space<any>> -> memref<512x512xf32, #tpu.memory_space<any>>
      tpu.enqueue_dma source(%dma_start3A_101 : memref<512x512xf32, #tpu.memory_space<any>>) target(%arg9 : memref<512x512xf32, #tpu.memory_space<vmem>>) target_semaphore(%arg13 : memref<!tpu.dma_semaphore, #tpu.memory_space<semaphore_mem>>)
      %dma_wait3A = arith.constant 0 : i32
      %dma_wait3A_102 = tpu.memref_slice %arg7[%add3A_98, %dma_wait3A] : memref<160512x1xi32, #tpu.memory_space<any>> -> memref<512x1xi32, #tpu.memory_space<any>>
      tpu.wait_dma2 semaphore(%arg13 : memref<!tpu.dma_semaphore, #tpu.memory_space<semaphore_mem>>) src(%dma_wait3A_102 : memref<512x1xi32, #tpu.memory_space<any>>) dst(%arg10 : memref<512x1xi32, #tpu.memory_space<vmem>>)
      %dma_wait3A_103 = arith.constant 0 : i32
      %dma_wait3A_104 = tpu.memref_slice %arg6[%add3A_98, %dma_wait3A_103] : memref<160512x512xf32, #tpu.memory_space<any>> -> memref<512x512xf32, #tpu.memory_space<any>>
      tpu.wait_dma2 semaphore(%arg13 : memref<!tpu.dma_semaphore, #tpu.memory_space<semaphore_mem>>) src(%dma_wait3A_104 : memref<512x512xf32, #tpu.memory_space<any>>) dst(%arg9 : memref<512x512xf32, #tpu.memory_space<vmem>>)
      %get3A_105 = arith.constant 0 : index
      %get3A_106 = arith.constant 0 : index
      %get3A_107 = vector.load %arg9[%get3A_105, %get3A_106] : memref<512x512xf32, #tpu.memory_space<vmem>>, vector<512x512xf32>
      %get3A_108 = arith.constant 0 : index
      %get3A_109 = arith.constant 0 : index
      %get3A_110 = vector.load %arg3[%get3A_108, %get3A_109] : memref<512x16xf32, #tpu.memory_space<vmem>>, vector<512x16xf32>
      %dot_general3A = arith.constant dense<0.000000e+00> : vector<512x16xf32>
      %dot_general3A_111 = tpu.matmul %get3A_107, %get3A_110, %dot_general3A {dimension_numbers = #tpu.dot_dimension_numbers<[1], [0], [0], [1], [0, 0, 1, 1], [], []>, transpose_lhs_hint = false} : vector<512x512xf32>, vector<512x16xf32>, vector<512x16xf32> -> vector<512x16xf32>
      %slice3A = vector.extract_strided_slice %dot_general3A_111 {offsets = [0, 0], sizes = [512, 8], strides = [1, 1]} : vector<512x16xf32> to vector<512x8xf32>
      %get3A_112 = arith.constant 0 : index
      %get3A_113 = arith.constant 0 : index
      %get3A_114 = vector.load %arg10[%get3A_112, %get3A_113] : memref<512x1xi32, #tpu.memory_space<vmem>>, vector<512x1xi32>
      %mul3A_115 = arith.constant 256 : i32
      %mul3A_116 = arith.muli %arg0, %mul3A_115 : i32
      %sub3A_117 = vector.broadcast %mul3A_116 : i32 to vector<512x1xi32>
      %sub3A_118 = arith.subi %get3A_114, %sub3A_117 : vector<512x1xi32>
      %add3A_119 = vector.broadcast %add3A_98 : i32 to vector<512x1xi32>
      %add3A_120 = arith.addi %iota3A_62, %add3A_119 : vector<512x1xi32>
      %ge3A = vector.broadcast %get3A_1 : i32 to vector<512x1xi32>
      %ge3A_121 = arith.cmpi sge, %add3A_120, %ge3A : vector<512x1xi32>
      %lt3A = vector.broadcast %get3A_6 : i32 to vector<512x1xi32>
      %lt3A_122 = arith.cmpi slt, %add3A_120, %lt3A : vector<512x1xi32>
      %and3A_123 = arith.andi %ge3A_121, %lt3A_122 : vector<512x1xi1>
      %eq3A = vector.broadcast %sub3A_118 : vector<512x1xi32> to vector<512x256xi32>
      %eq3A_124 = arith.cmpi eq, %eq3A, %iota3A : vector<512x256xi32>
      %and3A_125 = vector.broadcast %and3A_123 : vector<512x1xi1> to vector<512x256xi1>
      %and3A_126 = arith.andi %and3A_125, %eq3A_124 : vector<512x256xi1>
      %jit3A_127 = arith.constant 1.000000e+00 : f32
      %jit3A_128 = arith.constant 0.000000e+00 : f32
      %broadcast_in_dim3A_129 = vector.broadcast %jit3A_127 : f32 to vector<512x256xf32>
      %broadcast_in_dim3A_130 = vector.broadcast %jit3A_128 : f32 to vector<512x256xf32>
      %select_n3A_131 = arith.select %and3A_126, %broadcast_in_dim3A_129, %broadcast_in_dim3A_130 : vector<512x256xi1>, vector<512x256xf32>
      %get3A_132 = arith.constant 0 : index
      %get3A_133 = arith.constant 0 : index
      %get3A_134 = vector.load %arg2[%get3A_132, %get3A_133] : memref<256x16xf32, #tpu.memory_space<vmem>>, vector<256x8xf32>
      %dot_general3A_135 = arith.constant dense<0.000000e+00> : vector<512x8xf32>
      %dot_general3A_136 = tpu.matmul %select_n3A_131, %get3A_134, %dot_general3A_135 {dimension_numbers = #tpu.dot_dimension_numbers<[1], [0], [0], [1], [0, 0, 1, 1], [], []>, transpose_lhs_hint = false} : vector<512x256xf32>, vector<256x8xf32>, vector<512x8xf32> -> vector<512x8xf32>
      %add3A_137 = arith.addf %slice3A, %dot_general3A_136 : vector<512x8xf32>
      %ge3A_138 = arith.constant 0.000000e+00 : f32
      %ge3A_139 = vector.broadcast %ge3A_138 : f32 to vector<512x8xf32>
      %ge3A_140 = arith.cmpf oge, %add3A_137, %ge3A_139 : vector<512x8xf32>
      %mul3A_141 = arith.constant 2.000000e-01 : f32
      %mul3A_142 = vector.broadcast %mul3A_141 : f32 to vector<512x8xf32>
      %mul3A_143 = arith.mulf %mul3A_142, %add3A_137 : vector<512x8xf32>
      %select_n3A_144 = arith.select %ge3A_140, %add3A_137, %mul3A_143 : vector<512x8xi1>, vector<512x8xf32>
      %exp3A = math.exp %select_n3A_144 : vector<512x8xf32>
      %jit3A_145 = arith.constant 0.000000e+00 : f32
      %broadcast_in_dim3A_146 = vector.shape_cast %and3A_123 : vector<512x1xi1> to vector<512x1xi1>
      %broadcast_in_dim3A_147 = vector.broadcast %broadcast_in_dim3A_146 : vector<512x1xi1> to vector<512x8xi1>
      %broadcast_in_dim3A_148 = vector.broadcast %jit3A_145 : f32 to vector<512x8xf32>
      %select_n3A_149 = arith.select %broadcast_in_dim3A_147, %exp3A, %broadcast_in_dim3A_148 : vector<512x8xi1>, vector<512x8xf32>
      %get3A_150 = arith.constant 0 : index
      %get3A_151 = arith.constant 0 : index
      %get3A_152 = vector.load %arg11[%get3A_150, %get3A_151] : memref<256x8xf32, #tpu.memory_space<vmem>>, vector<256x8xf32>
      %dot_general3A_153 = arith.constant dense<0.000000e+00> : vector<512x8xf32>
      %dot_general3A_154 = tpu.matmul %select_n3A_131, %get3A_152, %dot_general3A_153 {dimension_numbers = #tpu.dot_dimension_numbers<[1], [0], [0], [1], [0, 0, 1, 1], [], []>, transpose_lhs_hint = false} : vector<512x256xf32>, vector<256x8xf32>, vector<512x8xf32> -> vector<512x8xf32>
      %add3A_155 = arith.constant 1.000000e-16 : f32
      %add3A_156 = vector.broadcast %add3A_155 : f32 to vector<512x8xf32>
      %add3A_157 = arith.addf %dot_general3A_154, %add3A_156 : vector<512x8xf32>
      %div3A_158 = arith.divf %select_n3A_149, %add3A_157 : vector<512x8xf32>
      %get3A_159 = arith.constant 0 : index
      %get3A_160 = arith.constant 0 : index
      %get3A_161 = vector.load %arg4[%get3A_159, %get3A_160] : memref<8x512xf32, #tpu.memory_space<vmem>>, vector<8x512xf32>
      %dot_general3A_162 = arith.constant dense<0.000000e+00> : vector<512x512xf32>
      %dot_general3A_163 = tpu.matmul %div3A_158, %get3A_161, %dot_general3A_162 {dimension_numbers = #tpu.dot_dimension_numbers<[1], [0], [0], [1], [0, 0, 1, 1], [], []>, transpose_lhs_hint = false} : vector<512x8xf32>, vector<8x512xf32>, vector<512x512xf32> -> vector<512x512xf32>
      %get3A_164 = arith.constant 0 : index
      %get3A_165 = arith.constant 0 : index
      %get3A_166 = vector.load %arg9[%get3A_164, %get3A_165] : memref<512x512xf32, #tpu.memory_space<vmem>>, vector<512x512xf32>
      %mul3A_167 = arith.mulf %get3A_166, %dot_general3A_163 : vector<512x512xf32>
      %jit3A_168 = arith.constant 0.000000e+00 : f32
      %broadcast_in_dim3A_169 = vector.shape_cast %and3A_123 : vector<512x1xi1> to vector<512x1xi1>
      %broadcast_in_dim3A_170 = vector.broadcast %broadcast_in_dim3A_169 : vector<512x1xi1> to vector<512x512xi1>
      %broadcast_in_dim3A_171 = vector.broadcast %jit3A_168 : f32 to vector<512x512xf32>
      %select_n3A_172 = arith.select %broadcast_in_dim3A_170, %mul3A_167, %broadcast_in_dim3A_171 : vector<512x512xi1>, vector<512x512xf32>
      %get3A_173 = arith.constant 0 : index
      %get3A_174 = arith.constant 0 : index
      %get3A_175 = vector.load %arg12[%get3A_173, %get3A_174] : memref<256x512xf32, #tpu.memory_space<vmem>>, vector<256x512xf32>
      %dot_general3A_176 = arith.constant dense<0.000000e+00> : vector<256x512xf32>
      %dot_general3A_177 = tpu.matmul %select_n3A_131, %select_n3A_172, %dot_general3A_176 {dimension_numbers = #tpu.dot_dimension_numbers<[0], [0], [1], [1], [0, 1, 1, 1], [], []>, transpose_lhs_hint = false} : vector<512x256xf32>, vector<512x512xf32>, vector<256x512xf32> -> vector<256x512xf32>
      %add3A_178 = arith.addf %get3A_175, %dot_general3A_177 : vector<256x512xf32>
      %swap3A_179 = arith.constant 0 : index
      %swap3A_180 = arith.constant 0 : index
      %swap3A_181 = vector.load %arg12[%swap3A_179, %swap3A_180] : memref<256x512xf32, #tpu.memory_space<vmem>>, vector<256x512xf32>
      tpu.vector_store %arg12[%swap3A_179, %swap3A_180], %add3A_178 {strides = array<i32>} : memref<256x512xf32, #tpu.memory_space<vmem>>, vector<256x512xf32>,
    }
    %get3A_82 = arith.constant 0 : index
    %get3A_83 = arith.constant 0 : index
    %get3A_84 = vector.load %arg12[%get3A_82, %get3A_83] : memref<256x512xf32, #tpu.memory_space<vmem>>, vector<256x512xf32>
    %get3A_85 = arith.constant 0 : index
    %get3A_86 = arith.constant 0 : index
    %get3A_87 = vector.load %arg5[%get3A_85, %get3A_86] : memref<1x512xf32, #tpu.memory_space<vmem>>, vector<1x512xf32>
    %add3A_88 = vector.broadcast %get3A_87 : vector<1x512xf32> to vector<256x512xf32>
    %add3A_89 = arith.addf %get3A_84, %add3A_88 : vector<256x512xf32>
    %max3A = arith.constant 0.000000e+00 : f32
    %max3A_90 = vector.broadcast %max3A : f32 to vector<256x512xf32>
    %max3A_91 = arith.maximumf %add3A_89, %max3A_90 : vector<256x512xf32>
    %swap3A_92 = arith.constant 0 : index
    %swap3A_93 = arith.constant 0 : index
    %swap3A_94 = vector.load %arg8[%swap3A_92, %swap3A_93] : memref<256x512xf32, #tpu.memory_space<vmem>>, vector<256x512xf32>
    tpu.vector_store %arg8[%swap3A_92, %swap3A_93], %max3A_91 {strides = array<i32>} : memref<256x512xf32, #tpu.memory_space<vmem>>, vector<256x512xf32>,
    return
  }
  func.func @transform_0(%arg0: i32, %arg1: memref<10241xi32, #tpu.memory_space<smem>>) -> (i32, i32) {
    %c0_i32 = arith.constant 0 : i32
    %c0_i32_0 = arith.constant 0 : i32
    return %arg0, %c0_i32 : i32, i32
  }
  func.func @transform_1(%arg0: i32, %arg1: memref<10241xi32, #tpu.memory_space<smem>>) -> (i32, i32) {
    %c0_i32 = arith.constant 0 : i32
    %c0_i32_0 = arith.constant 0 : i32
    %c0_i32_1 = arith.constant 0 : i32
    return %c0_i32, %c0_i32_0 : i32, i32
  }
  func.func @transform_2(%arg0: i32, %arg1: memref<10241xi32, #tpu.memory_space<smem>>) -> (i32, i32) {
    %c0_i32 = arith.constant 0 : i32
    %c0_i32_0 = arith.constant 0 : i32
    %c0_i32_1 = arith.constant 0 : i32
    return %c0_i32, %c0_i32_0 : i32, i32
  }
  func.func @transform_3(%arg0: i32, %arg1: memref<10241xi32, #tpu.memory_space<smem>>) -> (i32, i32) {
    %c0_i32 = arith.constant 0 : i32
    %c0_i32_0 = arith.constant 0 : i32
    %c0_i32_1 = arith.constant 0 : i32
    return %c0_i32, %c0_i32_0 : i32, i32
  }
  func.func @transform_6(%arg0: i32, %arg1: memref<10241xi32, #tpu.memory_space<smem>>) -> (i32, i32) {
    %c0_i32 = arith.constant 0 : i32
    %c0_i32_0 = arith.constant 0 : i32
    return %arg0, %c0_i32 : i32, i32
  }
}

module attributes {stable_mosaic.version = 14 : i64} {
  func.func @_k1_body(%arg0: i32, %arg1: memref<512x512xf32, #tpu.memory_space<vmem>>, %arg2: memref<512x512xf32, #tpu.memory_space<vmem>>, %arg3: memref<512x16xf32, #tpu.memory_space<vmem>>, %arg4: memref<512x512xf32, #tpu.memory_space<vmem>>, %arg5: memref<512x16xf32, #tpu.memory_space<vmem>>) attributes {dimension_semantics = [#tpu.dimension_semantics<arbitrary>], iteration_bounds = array<i64: 20>, scalar_prefetch = 0 : i64, scratch_operands = 0 : i64, tpu.core_type = #tpu.core_type<tc>, window_params = [{transform_indices = @transform_0, window_bounds = array<i64: 512, 512>}, {pipeline_mode = #tpu.pipeline_mode<synchronous>, transform_indices = @transform_1, window_bounds = array<i64: 512, 512>}, {pipeline_mode = #tpu.pipeline_mode<synchronous>, transform_indices = @transform_2, window_bounds = array<i64: 512, 16>}, {transform_indices = @transform_3, window_bounds = array<i64: 512, 512>}, {transform_indices = @transform_4, window_bounds = array<i64: 512, 16>}]} {
    %get3A = arith.constant 0 : index
    %get3A_0 = arith.constant 0 : index
    %get3A_1 = vector.load %arg1[%get3A, %get3A_0] : memref<512x512xf32, #tpu.memory_space<vmem>>, vector<512x512xf32>
    %get3A_2 = arith.constant 0 : index
    %get3A_3 = arith.constant 0 : index
    %get3A_4 = vector.load %arg2[%get3A_2, %get3A_3] : memref<512x512xf32, #tpu.memory_space<vmem>>, vector<512x512xf32>
    %dot_general3A = arith.constant dense<0.000000e+00> : vector<512x512xf32>
    %dot_general3A_5 = tpu.matmul %get3A_1, %get3A_4, %dot_general3A {dimension_numbers = #tpu.dot_dimension_numbers<[1], [0], [0], [1], [0, 0, 1, 1], [], []>, transpose_lhs_hint = false} : vector<512x512xf32>, vector<512x512xf32>, vector<512x512xf32> -> vector<512x512xf32>
    %swap3A = arith.constant 0 : index
    %swap3A_6 = arith.constant 0 : index
    %swap3A_7 = vector.load %arg4[%swap3A, %swap3A_6] : memref<512x512xf32, #tpu.memory_space<vmem>>, vector<512x512xf32>
    tpu.vector_store %arg4[%swap3A, %swap3A_6], %dot_general3A_5 {strides = array<i32>} : memref<512x512xf32, #tpu.memory_space<vmem>>, vector<512x512xf32>,
    %get3A_8 = arith.constant 0 : index
    %get3A_9 = arith.constant 0 : index
    %get3A_10 = vector.load %arg3[%get3A_8, %get3A_9] : memref<512x16xf32, #tpu.memory_space<vmem>>, vector<512x16xf32>
    %dot_general3A_11 = arith.constant dense<0.000000e+00> : vector<512x16xf32>
    %dot_general3A_12 = tpu.matmul %dot_general3A_5, %get3A_10, %dot_general3A_11 {dimension_numbers = #tpu.dot_dimension_numbers<[1], [0], [0], [1], [0, 0, 1, 1], [], []>, transpose_lhs_hint = false} : vector<512x512xf32>, vector<512x16xf32>, vector<512x16xf32> -> vector<512x16xf32>
    %swap3A_13 = arith.constant 0 : index
    %swap3A_14 = arith.constant 0 : index
    %swap3A_15 = vector.load %arg5[%swap3A_13, %swap3A_14] : memref<512x16xf32, #tpu.memory_space<vmem>>, vector<512x16xf32>
    tpu.vector_store %arg5[%swap3A_13, %swap3A_14], %dot_general3A_12 {strides = array<i32>} : memref<512x16xf32, #tpu.memory_space<vmem>>, vector<512x16xf32>,
    return
  }
  func.func @transform_0(%arg0: i32) -> (i32, i32) {
    %c0_i32 = arith.constant 0 : i32
    %c0_i32_0 = arith.constant 0 : i32
    return %arg0, %c0_i32 : i32, i32
  }
  func.func @transform_1(%arg0: i32) -> (i32, i32) {
    %c0_i32 = arith.constant 0 : i32
    %c0_i32_0 = arith.constant 0 : i32
    %c0_i32_1 = arith.constant 0 : i32
    return %c0_i32, %c0_i32_0 : i32, i32
  }
  func.func @transform_2(%arg0: i32) -> (i32, i32) {
    %c0_i32 = arith.constant 0 : i32
    %c0_i32_0 = arith.constant 0 : i32
    %c0_i32_1 = arith.constant 0 : i32
    return %c0_i32, %c0_i32_0 : i32, i32
  }
  func.func @transform_3(%arg0: i32) -> (i32, i32) {
    %c0_i32 = arith.constant 0 : i32
    %c0_i32_0 = arith.constant 0 : i32
    return %arg0, %c0_i32 : i32, i32
  }
  func.func @transform_4(%arg0: i32) -> (i32, i32) {
    %c0_i32 = arith.constant 0 : i32
    %c0_i32_0 = arith.constant 0 : i32
    return %arg0, %c0_i32 : i32, i32
  }
}

module attributes {stable_mosaic.version = 14 : i64} {
  func.func @_k4_body(%arg0: i32, %arg1: memref<512x512xf32, #tpu.memory_space<vmem>>, %arg2: memref<512x256xf32, #tpu.memory_space<vmem>>, %arg3: memref<1x256xf32, #tpu.memory_space<vmem>>, %arg4: memref<512x256xf32, #tpu.memory_space<vmem>>) attributes {dimension_semantics = [#tpu.dimension_semantics<arbitrary>], iteration_bounds = array<i64: 20>, scalar_prefetch = 0 : i64, scratch_operands = 0 : i64, tpu.core_type = #tpu.core_type<tc>, window_params = [{transform_indices = @transform_0, window_bounds = array<i64: 512, 512>}, {pipeline_mode = #tpu.pipeline_mode<synchronous>, transform_indices = @transform_1, window_bounds = array<i64: 512, 256>}, {pipeline_mode = #tpu.pipeline_mode<synchronous>, transform_indices = @transform_2, window_bounds = array<i64: 1, 256>}, {transform_indices = @transform_3, window_bounds = array<i64: 512, 256>}]} {
    %get3A = arith.constant 0 : index
    %get3A_0 = arith.constant 0 : index
    %get3A_1 = vector.load %arg1[%get3A, %get3A_0] : memref<512x512xf32, #tpu.memory_space<vmem>>, vector<512x512xf32>
    %get3A_2 = arith.constant 0 : index
    %get3A_3 = arith.constant 0 : index
    %get3A_4 = vector.load %arg2[%get3A_2, %get3A_3] : memref<512x256xf32, #tpu.memory_space<vmem>>, vector<512x256xf32>
    %dot_general3A = arith.constant dense<0.000000e+00> : vector<512x256xf32>
    %dot_general3A_5 = tpu.matmul %get3A_1, %get3A_4, %dot_general3A {dimension_numbers = #tpu.dot_dimension_numbers<[1], [0], [0], [1], [0, 0, 1, 1], [], []>, transpose_lhs_hint = false} : vector<512x512xf32>, vector<512x256xf32>, vector<512x256xf32> -> vector<512x256xf32>
    %get3A_6 = arith.constant 0 : index
    %get3A_7 = arith.constant 0 : index
    %get3A_8 = vector.load %arg3[%get3A_6, %get3A_7] : memref<1x256xf32, #tpu.memory_space<vmem>>, vector<1x256xf32>
    %add3A = vector.broadcast %get3A_8 : vector<1x256xf32> to vector<512x256xf32>
    %add3A_9 = arith.addf %dot_general3A_5, %add3A : vector<512x256xf32>
    %reduce_max3A = arith.constant dense<0xFF800000> : vector<512xf32>
    %reduce_max3A_10 = vector.multi_reduction <maximumf>, %add3A_9, %reduce_max3A [1] : vector<512x256xf32> to vector<512xf32>
    %broadcast_in_dim3A = vector.shape_cast %reduce_max3A_10 : vector<512xf32> to vector<512x1xf32>
    %sub3A = vector.broadcast %broadcast_in_dim3A : vector<512x1xf32> to vector<512x256xf32>
    %sub3A_11 = arith.subf %add3A_9, %sub3A : vector<512x256xf32>
    %exp3A = math.exp %sub3A_11 : vector<512x256xf32>
    %reduce_sum3A = arith.constant dense<0.000000e+00> : vector<512xf32>
    %reduce_sum3A_12 = vector.multi_reduction <add>, %exp3A, %reduce_sum3A [1] : vector<512x256xf32> to vector<512xf32>
    %broadcast_in_dim3A_13 = vector.shape_cast %reduce_sum3A_12 : vector<512xf32> to vector<512x1xf32>
    %log3A = math.log %broadcast_in_dim3A_13 : vector<512x1xf32>
    %sub3A_14 = vector.broadcast %log3A : vector<512x1xf32> to vector<512x256xf32>
    %sub3A_15 = arith.subf %sub3A_11, %sub3A_14 : vector<512x256xf32>
    %swap3A = arith.constant 0 : index
    %swap3A_16 = arith.constant 0 : index
    %swap3A_17 = vector.load %arg4[%swap3A, %swap3A_16] : memref<512x256xf32, #tpu.memory_space<vmem>>, vector<512x256xf32>
    tpu.vector_store %arg4[%swap3A, %swap3A_16], %sub3A_15 {strides = array<i32>} : memref<512x256xf32, #tpu.memory_space<vmem>>, vector<512x256xf32>,
    return
  }
  func.func @transform_0(%arg0: i32) -> (i32, i32) {
    %c0_i32 = arith.constant 0 : i32
    %c0_i32_0 = arith.constant 0 : i32
    return %arg0, %c0_i32 : i32, i32
  }
  func.func @transform_1(%arg0: i32) -> (i32, i32) {
    %c0_i32 = arith.constant 0 : i32
    %c0_i32_0 = arith.constant 0 : i32
    %c0_i32_1 = arith.constant 0 : i32
    return %c0_i32, %c0_i32_0 : i32, i32
  }
  func.func @transform_2(%arg0: i32) -> (i32, i32) {
    %c0_i32 = arith.constant 0 : i32
    %c0_i32_0 = arith.constant 0 : i32
    %c0_i32_1 = arith.constant 0 : i32
    return %c0_i32, %c0_i32_0 : i32, i32
  }
  func.func @transform_3(%arg0: i32) -> (i32, i32) {
    %c0_i32 = arith.constant 0 : i32
    %c0_i32_0 = arith.constant 0 : i32
    return %arg0, %c0_i32 : i32, i32
  }
}

</mosaic_0001>

<sc_bundles>
// kernel: gather_offload_async_start.1
scs
__scs_entry_jumppad:
0x0: {  	(pc) =	sbr.rel $0x88, $3  }
0x1: {  	(tag) =	ssettag $0x0;
	lr =	simm.s32 $0x1  }
0x2: {  	[smem:$0x3F95] =	sst lr;
	_ =	strace $0xD0000000  }
0x3: {  	_ = 	snop  }
0x4: {  	_ = 	snop  }
0x5: {  	_ = 	snop  }
0x6: {  	_ = 	snop  }
0x7: {  	_ = 	snop  }
__scs_overlays_trampoline_lowered:
0x8: {  	[smem:$0x3FA4] =	sst s0  }
0x9: {  	[smem:$0x3FA5] =	sst s1  }
0xa: {  	[smem:$0x3FA6] =	sst s2  }
0xb: {  	[smem:$0x3FA7] =	sst s3  }
0xc: {  	[smem:$0x3FA8] =	sst s4  }
0xd: {  	[smem:$0x3FA9] =	sst s5  }
0xe: {  	[smem:$0x3FAA] =	sst s6  }
0xf: {  	[smem:$0x3FAB] =	sst s7  }
0x10: {  	[smem:$0x3FAC] =	sst s8  }
0x11: {  	[smem:$0x3FAD] =	sst s9;
	s0 =	simm.s32 @!p0 $0x0  }
0x12: {  	s1 =	sld [smem:$0x3F93];
	s0 =	simm.s32 @p0 $0x1  }
0x13: {  	[smem:$0x3FAE] =	sst s0;
	s0 =	simm.s32 @!p1 $0x0  }
0x14: {  	s2 =	sld [smem:$0x3F92];
	s0 =	simm.s32 @p1 $0x1  }
0x15: {  	[smem:$0x3FAF] =	sst s0;
	s0 =	simm.s32 @!p2 $0x0  }
0x16: {  	s3 =	sld [smem:$0x3FDB];
	s0 =	simm.s32 @p2 $0x1  }
0x17: {  	s4 =	simm.s32 $0x1BF5;
	[smem:$0x3FB1] =	sst s0  }
0x18: {  	s0 =	sld [smem:$0x3F94];
	_ =	swait.ge [sflag:s4], $0x0  }
0x19: {  	s7 =	sld [smem:$0x3F95]  }
0x1a: {  	s8 =	sadd.s32 $0xFFFFE003, lr  }
0x1b: {  	s9 =	sadd.s32 $0xFFFFFEF7, lr;
	s5 =	simm.s32 $0xFFFFFFFF;
	p2 =	slt.u32 s8, $0xFFFFF086  }
0x1c: {  	p1 =	slt.u32 s9, $0xF7A;
	s5 =	simm.s32 @!p2 $0x0  }
0x1d: {  	s5 =	simm.s32 @p1 $0x1;
	p0 =	seq.s32 s7, s2  }
0x1e: {  	s7 =	smul.u32 @!p0 $0xF7A, s2;
	p2 =	seq.s32 @!p0 s5, $0x0  }
0x1f: {  	s9 =	smul.u32 $0xF7A, s1;
	s8 =	simm.s32 @!p0 $0x1BF5;
	p2 =	por !p2, p0  }
0x20: {  	[sflag:s8] =	ssyncset.s32 @!p0 $0xFFFFF086;
	s6 =	sadd.s32 @!p0 s3, s7;
	s7 =	simm.s32 @!p0 $0x108  }
0x21: {  	s3 =	sadd.s32 s3, s9;
	s6 =	sadd.s32 @!p0 $0x88, s6;
	s7 =	simm.s32 @p2 $0x1082  }
0x22: {  	[simem:s7], [sflag:s8] =	dma.local @!p0 [hbm:s6], $0xF7A  }
0x23: {  	s9 =	sor.u32 $0xD0000000, s2;
	s6 =	simm.s32 $0x108;
	_ =	swait.ge @!p0 [sflag:s8], $0x0  }
0x24: {  	s3 =	sadd.s32 $0x88, s3;
	s6 =	simm.s32 @!p1 $0x1082;
	[sflag:s4] =	ssyncset.s32 $0xFFFFF086  }
0x25: {  	[simem:s6], [sflag:s4] =	dma.local [hbm:s3], $0xF7A  }
0x26: {  	[smem:$0x3F95] =	sst s1;
	(tag) =	ssettag s2;
	_ =	strace s9  }
0x27: {  	s1 =	sld [smem:$0x3FA5]  }
0x28: {  	s2 =	sld [smem:$0x3FA6]  }
0x29: {  	s4 =	sld [smem:$0x3FA8]  }
0x2a: {  	p0 =	seq.s32 s5, $0x0;
	s5 =	sld [smem:$0x3FA9]  }
0x2b: {  	s6 =	sld [smem:$0x3FAA]  }
0x2c: {  	s7 =	sld [smem:$0x3FAB]  }
0x2d: {  	s3 =	simm.s32 $0x108;
	s8 =	sld [smem:$0x3FAC]  }
0x2e: {  	s3 =	simm.s32 @!p0 $0x1082;
	s9 =	sld [smem:$0x3FAD]  }
0x2f: {  	lr =	sadd.s32 s0, s3;
	s0 =	sld [smem:$0x3FA4]  }
0x30: {  	s3 =	sld [smem:$0x3FA7]  }
0x31: {  	[smem:$0x3FB0] =	sst s10  }
0x32: {  	s10 =	sld [smem:$0x3FAE];
	_ =	sdelay $0x3  }
0x33: {  	p0 =	seq.s32 s10, $0x1;
	s10 =	sld [smem:$0x3FB0];
	_ =	sdelay $0x3  }
0x34: {  	[smem:$0x3FB0] =	sst s10  }
0x35: {  	s10 =	sld [smem:$0x3FAF];
	_ =	sdelay $0x3  }
0x36: {  	p1 =	seq.s32 s10, $0x1;
	s10 =	sld [smem:$0x3FB0];
	_ =	sdelay $0x3  }
0x37: {  	[smem:$0x3FB0] =	sst s10  }
0x38: {  	s10 =	sld [smem:$0x3FB1]  }
0x39: {  	_ = 	snop;
	(pc) =	sbr.ind lr, $3  }
0x3a: {  	_ = 	snop  }
0x3b: {  	_ = 	snop  }
0x3c: {  	p2 =	seq.s32 s10, $0x1;
	s10 =	sld [smem:$0x3FB0]  }
0x3d: {  	_ =	shalt  }
0x3e: {  	_ =	shalt  }
0x3f: {  	_ =	shalt  }
0x40: {  	_ =	shalt  }
0x41: {  	_ =	shalt  }
0x42: {  	_ =	shalt  }
0x43: {  	_ =	shalt  }
0x44: {  	_ =	shalt  }
0x45: {  	_ =	shalt  }
0x46: {  	_ =	shalt  }
0x47: {  	_ =	shalt  }
0x48: {  	_ =	shalt  }
0x49: {  	_ =	shalt  }
0x4a: {  	_ =	shalt  }
0x4b: {  	_ =	shalt  }
0x4c: {  	_ =	shalt  }
0x4d: {  	_ =	shalt  }
0x4e: {  	_ =	shalt  }
0x4f: {  	_ =	shalt  }
0x50: {  	_ =	shalt  }
0x51: {  	_ =	shalt  }
0x52: {  	_ =	shalt  }
0x53: {  	_ =	shalt  }
0x54: {  	_ =	shalt  }
0x55: {  	_ =	shalt  }
0x56: {  	_ =	shalt  }
0x57: {  	_ =	shalt  }
0x58: {  	_ =	shalt  }
0x59: {  	_ =	shalt  }
0x5a: {  	_ =	shalt  }
0x5b: {  	_ =	shalt  }
0x5c: {  	_ =	shalt  }
0x5d: {  	_ =	shalt  }
0x5e: {  	_ =	shalt  }
0x5f: {  	_ =	shalt  }
0x60: {  	_ =	shalt  }
0x61: {  	_ =	shalt  }
0x62: {  	_ =	shalt  }
0x63: {  	_ =	shalt  }
0x64: {  	_ =	shalt  }
0x65: {  	_ =	shalt  }
0x66: {  	_ =	shalt  }
0x67: {  	_ =	shalt  }
0x68: {  	_ =	shalt  }
0x69: {  	_ =	shalt  }
0x6a: {  	_ =	shalt  }
0x6b: {  	_ =	shalt  }
0x6c: {  	_ =	shalt  }
0x6d: {  	_ =	shalt  }
0x6e: {  	_ =	shalt  }
0x6f: {  	_ =	shalt  }
0x70: {  	_ =	shalt  }
0x71: {  	_ =	shalt  }
0x72: {  	_ =	shalt  }
0x73: {  	_ =	shalt  }
0x74: {  	_ =	shalt  }
0x75: {  	_ =	shalt  }
0x76: {  	_ =	shalt  }
0x77: {  	_ =	shalt  }
0x78: {  	_ =	shalt  }
0x79: {  	_ =	shalt  }
0x7a: {  	_ =	shalt  }
0x7b: {  	_ =	shalt  }
0x7c: {  	_ =	shalt  }
0x7d: {  	_ =	shalt  }
0x7e: {  	_ =	shalt  }
0x7f: {  	_ =	shalt  }
0x80: {  	_ =	shalt  }
0x81: {  	_ =	shalt  }
0x82: {  	_ =	shalt  }
0x83: {  	_ =	shalt  }
0x84: {  	_ =	shalt  }
0x85: {  	_ =	shalt  }
0x86: {  	_ =	shalt  }
0x87: {  	_ =	shalt  }
.Lfunc_end0:
.L_simem_size_0:
called_computation.1_lowered:
.L_overlay_start_0:
0x88: {  	s2 =	sld [smem:$0x3FD9]  }
0x89: {  	s3 =	sld [smem:$0x3FFE];
	_ =	sdelay $0x1  }
0x8a: {  	s1 =	srdreg.scid  }
0x8b: {  	s0 =	sand.u32 $0x1, s1  }
0x8c: {  	s17 =	sshll.u32 s0, $0xA;
	s2 =	sadd.s32 s3, s2  }
0x8d: {  	s2 =	sadd.s32 s2, s17  }
0x8e: {  	[smem:$0x3FBC] =	sst s2  }
0x8f: {  	_ = 	snop  }
0x90: {  	(tm) =	ssettm $0x1  }
0x91: {  	s18 =	sld [smem:$0x3FFB];
	_ =	sdelay $0x3  }
0x92: {  	_ =	strace s18  }
0x93: {  	s2 =	sld [smem:$0x3FFC];
	_ =	sdelay $0x3  }
0x94: {  	_ =	strace s2  }
0x95: {  	s2 =	sld [smem:$0x3FFD];
	_ =	sdelay $0x3  }
0x96: {  	_ =	strace s2  }
0x97: {  	_ =	strace $0x8FFFFFFF  }
0x98: {  	s19 =	sld [smem:$0x3FDB];
	_ =	sdelay $0x1  }
0x99: {  	s20 =	simm.s32 $_scs_section_size  }
0x9a: {  	s4 =	simm.s32 $_size__tile_overlayer_lowered;
	s5 =	simm.s32 $_tile_overlayer_lowered  }
0x9b: {  	s6 =	simm.s32 $0x1BFF;
	s21 =	sshll.u32 s5, $0x1;
	s3 =	sadd.s32 s20, s19  }
0x9c: {  	s22 =	simm.s32 $0x0;
	s4 =	sshll.u32 s4, $0x1;
	s5 =	sadd.s32 s21, s3  }
0x9d: {  	[timem:s22], [sflag:s6] =	dma.local [hbm:s5], s4  }
0x9e: {  	_ =	swait.ge [sflag:s6], s4  }
0x9f: {  	s4 =	ssub.s32 $0x0, s4;
	[sflag:s6] =	ssyncset.done $0x0  }
0xa0: {  	[sflag:s6] =	ssyncadd.s32 s4;
	_ =	sdelay $0x1  }
0xa1: {  	s23 =	simm.s32 $0x1B8B  }
0xa2: {  	_ =	swait.ge [sflag:s23], $0x1  }
0xa3: {  	[sflag:s23] =	ssyncset.done $0x0  }
0xa4: {  	[sflag:s23] =	ssyncadd.s32 $0xFFFFFFFF  }
0xa5: {  	s4 =	sld [smem:$0x0]  }
0xa6: {  	s5 =	sand.u32 $0xFFFFFFFE, s1  }
0xa7: {  	p0 =	sne.s32 s1, s5  }
0xa8: {  	s5 =	sshll.u32 @p0 s5, $0xE  }
0xa9: {  	s5 =	sadd.s32 @p0 $0x11B8D, s5;
	s6 =	sshll.u32 @p0 s4, $0x11  }
0xaa: {  	s5 =	sor.u32 @p0 s6, s5  }
0xab: {  	[sflag:s5] =	ssyncadd.remote.s32 @p0 $0x1;
	_ =	sdelay $0x1  }
0xac: {  	s5 =	simm.s32 @p0 $0x1B8D  }
0xad: {  	_ =	swait.eq @p0 [sflag:s5], $0x1  }
0xae: {  	[sflag:s5] =	ssyncadd.s32 @p0 $0xFFFFFFFF  }
0xaf: {  	s6 =	sshll.u32 @!p0 s1, $0xE  }
0xb0: {  	s6 =	sor.u32 @!p0 $0x4000, s6;
	s5 =	simm.s32 @!p0 $0x1B8D  }
0xb1: {  	s4 =	sshll.u32 @!p0 s4, $0x11;
	s6 =	sadd.s32 @!p0 $0x11B8D, s6;
	_ =	swait.eq @!p0 [sflag:s5], $0x1  }
0xb2: {  	s4 =	sor.u32 @!p0 s4, s6;
	[sflag:s5] =	ssyncadd.s32 @!p0 $0xFFFFFFFF  }
0xb3: {  	s25 =	simm.s32 $0x1B8E;
	s24 =	sld [smem:$0x3FFE];
	[sflag:s4] =	ssyncadd.remote.s32 @!p0 $0x1  }
0xb4: {  	s26 =	simm.s32 $execute0_lowered;
	[smem:$0x3FD2] =	sst s25  }
0xb5: {  	s5 =	sshll.u32 s26, $0x1;
	_ =	strace $0x80000049;
	[dreg:$0x1] =	wrdreg $0xFFFFFFFF  }
0xb6: {  	s28 =	simm.s32 $_size_execute0_lowered;
	s3 =	sadd.s32 s3, s5;
	[dreg:$0x0] =	wrdreg $0x0  }
0xb7: {  	s5 =	sshll.u32 s28, $0x1;
	[dreg:$0x2] =	wrdreg s3  }
0xb8: {  	[dreg:$0x3] =	wrdreg s5  }
0xb9: {  	[dreg:$0x4] =	wrdreg $0xC0  }
0xba: {  	_ =	task [dreg:s22], $0x5FFFF  }
0xbb: {  	[dreg:$0x1] =	wrdreg $0xFFFFFFFF  }
0xbc: {  	[dreg:$0x0] =	wrdreg $0x60  }
0xbd: {  	[dreg:$0x2] =	wrdreg s24  }
0xbe: {  	[dreg:$0x3] =	wrdreg $0x9  }
0xbf: {  	_ =	task.clear_ibuf [dreg:s22], $0x4FFFF;
	_ =	strace $0x90000049  }
0xc0: {  	s29 =	simm.s32 $0x9;
	_ =	strace $0x8000004B  }
0xc1: {  	_ =	swait.ge [sflag:s29], $0x1  }
0xc2: {  	[sflag:s29] =	ssyncadd.s32 $0xFFFFFFFF  }
0xc3: {  	_ =	strace $0x9000004B  }
0xc4: {  	_ =	sfence  }
0xc5: {  	s30 =	sld [smem:$0x0];
	_ =	sdelay $0x2  }
0xc6: {  	s31 =	sshll.u32 s1, $0xD;
	s1 =	sshrl.u32 s1, $0x2  }
0xc7: {  	s4 =	sand.u32 $0x4000, s31;
	s1 =	sadd.s32 s1, s30  }
0xc8: {  	s0 =	sor.u32 s4, s0;
	s1 =	sshll.u32 s1, $0x11  }
0xc9: {  	s0 =	sor.u32 s1, s0  }
0xca: {  	s0 =	sadd.s32 $0x8F2B, s0  }
0xcb: {  	[sflag:s0] =	ssyncadd.remote.s32 $0x1  }
0xcc: {  	_ =	sfence.sel $0xFFFF  }
0xcd: {  	[dreg:$0x0] =	wrdreg $0xFFFFFFFF;
	(pc) =	sbr.abs _section_cstart, $3  }
0xce: {  	[dreg:$0x1] =	wrdreg $0xFFFFFFFF  }
0xcf: {  	_ =	task.clear_ibuf [dreg:s22], $0x2FFFF;
	_ =	strace $0x9FFFFFFF  }
0xd0: {  	(tm) =	ssettm $0x7FFFFFFF  }
0xd1: {  	_ =	shalt  }
tec
execute0_lowered:
.L_overlay_start_1:
0x0: {  	(tag) =	ssettag $0x1  }
0x1: {  	s8 =	rddreg [dreg:$0x0]  }
0x2: {  	s0 =	rddreg [dreg:$0x1];
	_ =	strace $0x8000004A;
	s1 =	stileid.u32  }
0x3: {  	s3 =	srdreg.scid;
	s4 =	simm.s32 $0x1;
	s7 =	simm.s32 $0x1  }
0x4: {  	s9 =	simm.s32 $0x1;
	s10 =	simm.s32 $0x3;
	s13 =	simm.s32 $0x0  }
0x5: {  	s12 =	simm.s32 $0x0;
	s5 =	sand.u32 $0x1, s3;
	s6 =	sshll.u32 s1, $0x1  }
0x6: {  	s2 =	sadd.s32 $0x8200, s8;
	s3 =	sadd.s32 $0xD200, s8;
	s5 =	sor.u32 s6, s5  }
.Ltmp0:
0x7: {  	[sflag:s4] =	ssyncpa.u1 $0x0;
	p0 =	slt.u32 s5, $0x9;
	(pc) =	sbr.rel .LBB2_1-.Ltmp0, $4  }
0x8: {  	s6 =	simm.s32 $0x2;
	s7 =	simm.s32 @!p0 $0x0;
	p0 =	sne.s32 s5, $0x8  }
0x9: {  	[sflag:s6] =	ssyncpa.u1 $0x0;
	s5 =	smul.u32 $0xFA0, s5;
	s9 =	simm.s32 @!p0 $0x0  }
0xa: {  	s8 =	sadd.s32 $0x12200, s8;
	[sflag:s10] =	ssyncpa.u1 $0x0;
	s7 =	sadd.s32 s9, s7  }
0xb: {  	vm0 =	vmmov $0xffff;
	s10 =	simm.s32 $0x0;
	s11 =	smov.u32 s5;
	s9 =	sadd.s32 $0x1, s7  }
.LBB2_4:
0xc: {  	v2 =	vnsel vm1, $0x0, v2  }
0xd: {  	vm1 =	vgt.s32 v0, $0x0;
	v2 =	vmin.u32 v2, $0x270FF  }
0xe: {  	v0 =	vnsel vm1, $0x0, v0  }
0xf: {  	v0 =	vmin.u32 v0, $0x270FF  }
0x10: {  	[tilespmem:s18], [sflag:$0x1] =	stream.indirect_vreg.gather [hbm4b:s2+s10], $0x1, v1, vm0, $0x4038;
	[tilespmem:$0x3E80] =	vst v63  }
0x11: {  	(ifvalue) =	ssetifvalue $0x7FFFFFFF  }
0x12: {  	[tilespmem:s15], [sflag:$0x1] =	stream.indirect_vreg.gather [hbm4b:s2+s10], $0x1, v2, vm0, $0x4038;
	[tilespmem:$0x3E80] =	vst v63  }
0x13: {  	s29 =	sadd.s32 $0x10, s15;
	(ifvalue) =	ssetifvalue $0x7FFFFFFF  }
0x14: {  	[tilespmem:s29], [sflag:$0x1] =	stream.indirect_vreg.gather [hbm4b:s2+s10], $0x1, v0, vm0, $0x4038;
	[tilespmem:$0x3E80] =	vst v63  }
0x15: {  	_ =	swait.ge [sflag:s4], $0xFA0  }
0x16: {  	s30 =	sshrl.u32 s13, $0x3;
	[sflag:s4] =	ssyncset.done $0x0  }
0x17: {  	s31 =	sand.u32 $0x7, s13;
	s15 =	sadd.s32 s8, s30;
	[sflag:s4] =	ssyncadd.s32 $0xFFFFF060  }
0x18: {  	[hbm4b:s15+s31] =	stream.linear.scatter [tilespmem:s14], [sflag:$0x3], $0xFA0, $0x38;
	[tilespmem:$0x3E80] =	vst v63  }
.LBB2_5:
0x19: {  	s15 =	sadd.s32 $0x1F400, s11  }
0x1a: {  	p1 =	sgt.s32 s15, $0x270FF  }
0x1b: {  	s15 =	smov.u32 @p1 s5;
	p1 =	sne.s32 s12, s9  }
.Ltmp1:
0x1c: {  	p0 =	slt.u32 s12, $0x2;
	(pc) =	sbr.rel @!p1 .LBB2_6-.Ltmp1, $4  }
0x1d: {  	s14 =	simm.s32 @!p0 $0x3  }
0x1e: {  	_ =	swait.ge @!p0 [sflag:s14], $0xFA0  }
0x1f: {  	s16 =	sadd.s32 $0x1, s12;
	s13 =	smov.u32 s11;
	[sflag:s14] =	ssyncset.done @!p0 $0x0  }
0x20: {  	s12 =	smov.u32 s16;
	s11 =	smov.u32 s15;
	[sflag:s14] =	ssyncadd.s32 @!p0 $0xFFFFF060  }
.LBB2_1:
0x21: {  	p0 =	sge.u32 s12, s7  }
0x22: {  	s14 =	sxor.u32 @!p0 $0x1, s12  }
0x23: {  	s14 =	smul.u32 @!p0 $0x3E80, s14  }
0x24: {  	s31 =	sadd.s32 $0xFFFFFFFF, s12;
	s15 =	sshrl.u32 @!p0 s11, $0x3  }
0x25: {  	s16 =	sand.u32 @!p0 $0x7, s11;
	s15 =	sadd.s32 @!p0 s3, s15;
	s14 =	sshra.s32 @!p0 s14, $0x2  }
0x26: {  	[tilespmem:s14], [sflag:$0x2] =	stream.linear.gather @!p0 [hbm4b:s15+s16], $0xFA0, $0x38;
	[tilespmem:$0x3E80] =	vst v63  }
0x27: {  	p0 =	sge.u32 s31, s7  }
.Ltmp2:
0x28: {  	_ = 	snop;
	(pc) =	sbr.rel @p0 .LBB2_5-.Ltmp2, $1  }
0x29: {  	_ =	sdelay $0x3  }
0x2a: {  	s14 =	sand.u32 $0x1, s12  }
0x2b: {  	_ =	swait.ge [sflag:s6], $0xFA0;
	p0 =	seq.s32 s14, $0x1;
	s14 =	simm.s32 $0xFA0  }
0x2c: {  	[sflag:s6] =	ssyncset.done $0x0;
	s14 =	simm.s32 @!p0 $0x0  }
0x2d: {  	[sflag:s6] =	ssyncadd.s32 $0xFFFFF060;
	(ifvalue) =	ssetifvalue $0x7FFFFFFF;
	v0 =	vld.msk [tilespmem:s14+$0x0 ss:$0x1], $0xffff;
	_ =	sdelay $0x4  }
0x2e: {  	s15 =	sadd.s32 $0x10, s14;
	vm1 =	vgt.s32 v0, $0x0  }
0x2f: {  	v2 =	vld.msk [tilespmem:s15+$0x0 ss:$0x1], $0xffff;
	v1 =	vnsel vm1, $0x0, v0  }
0x30: {  	v1 =	vmin.u32 v1, $0x270FF;
	_ =	sdelay $0x2  }
0x31: {  	s17 =	simm.s32 $0x20;
	s14 =	sadd.s32 $0x1F40, s14;
	s16 =	sadd.s32 $0x10, s15  }
0x32: {  	s15 =	sadd.s32 $0x10, s14;
	s18 =	smov.u32 s14;
	v0 =	vld.msk [tilespmem:s16+$0x0 ss:$0x1], $0xffff;
	vm1 =	vgt.s32 v2, $0x0;
	(ifvalue) =	ssetifvalue $0x7FFFFFFF  }
.LBB2_3:
0x33: {  	[tilespmem:s18], [sflag:$0x1] =	stream.indirect_vreg.gather [hbm4b:s2+s10], $0x1, v1, vm0, $0x4038;
	[tilespmem:$0x3E80] =	vst v63  }
0x34: {  	s17 =	sadd.s32 $0x10, s17  }
0x35: {  	v2 =	vnsel vm1, $0x0, v2;
	p0 =	slt.u32 s17, $0xF90  }
.Ltmp3:
0x36: {  	s18 =	smov.u32 s15;
	v1 =	vmin.u32 v2, $0x270FF;
	(pc) =	sbr.rel @p0 .LBB2_3-.Ltmp3, $3  }
0x37: {  	_ =	sdelay $0x1  }
0x38: {  	s16 =	sadd.s32 $0x10, s16  }
0x39: {  	vm1 =	vgt.s32 v0, $0x0;
	s15 =	sadd.s32 $0x10, s15;
	v2 =	vmov v0;
	(ifvalue) =	ssetifvalue $0x7FFFFFFF;
	v0 =	vld.msk [tilespmem:s16+$0x0 ss:$0x1], $0xffff  }
.Ltmp4:
0x3a: {  	_ = 	snop;
	(pc) =	sbr.rel .LBB2_4-.Ltmp4, $1  }
0x3b: {  	_ =	sdelay $0x3  }
.LBB2_6:
0x3c: {  	_ =	sfence.sel $0x180000  }
0x3d: {  	s2 =	simm.s32 $0x2;
	[bflag:$0x0] =	sbarrier.arrive $0xFFFF  }
0x3e: {  	s30 =	simm.s32 $0x3;
	[sflag:s2] =	ssyncpa.u1 $0x1  }
0x3f: {  	s31 =	simm.s32 $0x1;
	[sflag:s30] =	ssyncpa.u1 $0x1  }
0x40: {  	[sflag:s31] =	ssyncpa.u1 $0x1  }
0x41: {  	p0 =	sne.s32 s1, $0x0;
	_ =	strace $0x9000004A  }
0x42: {  	s0 =	sadd.s32 @!p0 $0x100000, s0;
	[bflag:$0x2] =	sbarrier.arrive $0xFFFF  }
0x43: {  	[sflag:s0] =	ssyncadd.tile.s32 @!p0 $0x1;
	_ =	shalt  }
.Lfunc_end2:
_tile_overlayer_lowered:
.L_overlay_start_2:
0x44: {  	(tag) =	ssettag $0x2  }
0x45: {  	s0 =	rddreg [dreg:$0x0];
	s2 =	stileid.u32  }
0x46: {  	s1 =	rddreg [dreg:$0x1];
	p0 =	sne.s32 s2, $0x0  }
0x47: {  	s3 =	rddreg [dreg:$0x2];
	[bflag:$0x3] =	sbarrier.arrive $0xFFFF;
	s2 =	simm.s32 @!p0 $0x1C01  }
0x48: {  	[timem:s3], [sflag:s2] =	dma.local @!p0 [hbm:s0], s1  }
0x49: {  	s0 =	simm.s32 @!p0 $0x1  }
0x4a: {  	_ =	swait.ge @!p0 [sflag:s0], s1  }
0x4b: {  	s1 =	ssub.s32 @!p0 $0x0, s1;
	[sflag:s0] =	ssyncset.done @!p0 $0x0  }
0x4c: {  	[sflag:s0] =	ssyncadd.s32 @!p0 s1  }
0x4d: {  	[bflag:$0x3] =	sbarrier.arrive $0xFFFF  }
0x4e: {  	_ =	shalt  }

// kernel: gather_offload_async_start
scs
__scs_entry_jumppad:
0x0: {  	(pc) =	sbr.rel $0x88, $3  }
0x1: {  	(tag) =	ssettag $0x0;
	lr =	simm.s32 $0x1  }
0x2: {  	[smem:$0x3F95] =	sst lr;
	_ =	strace $0xD0000000  }
0x3: {  	_ = 	snop  }
0x4: {  	_ = 	snop  }
0x5: {  	_ = 	snop  }
0x6: {  	_ = 	snop  }
0x7: {  	_ = 	snop  }
__scs_overlays_trampoline_lowered:
0x8: {  	[smem:$0x3FA4] =	sst s0  }
0x9: {  	[smem:$0x3FA5] =	sst s1  }
0xa: {  	[smem:$0x3FA6] =	sst s2  }
0xb: {  	[smem:$0x3FA7] =	sst s3  }
0xc: {  	[smem:$0x3FA8] =	sst s4  }
0xd: {  	[smem:$0x3FA9] =	sst s5  }
0xe: {  	[smem:$0x3FAA] =	sst s6  }
0xf: {  	[smem:$0x3FAB] =	sst s7  }
0x10: {  	[smem:$0x3FAC] =	sst s8  }
0x11: {  	[smem:$0x3FAD] =	sst s9;
	s0 =	simm.s32 @!p0 $0x0  }
0x12: {  	s1 =	sld [smem:$0x3F93];
	s0 =	simm.s32 @p0 $0x1  }
0x13: {  	[smem:$0x3FAE] =	sst s0;
	s0 =	simm.s32 @!p1 $0x0  }
0x14: {  	s2 =	sld [smem:$0x3F92];
	s0 =	simm.s32 @p1 $0x1  }
0x15: {  	[smem:$0x3FAF] =	sst s0;
	s0 =	simm.s32 @!p2 $0x0  }
0x16: {  	s3 =	sld [smem:$0x3FDB];
	s0 =	simm.s32 @p2 $0x1  }
0x17: {  	s4 =	simm.s32 $0x1BF5;
	[smem:$0x3FB1] =	sst s0  }
0x18: {  	s0 =	sld [smem:$0x3F94];
	_ =	swait.ge [sflag:s4], $0x0  }
0x19: {  	s7 =	sld [smem:$0x3F95]  }
0x1a: {  	s8 =	sadd.s32 $0xFFFFE003, lr  }
0x1b: {  	s9 =	sadd.s32 $0xFFFFFEF7, lr;
	s5 =	simm.s32 $0xFFFFFFFF;
	p2 =	slt.u32 s8, $0xFFFFF086  }
0x1c: {  	p1 =	slt.u32 s9, $0xF7A;
	s5 =	simm.s32 @!p2 $0x0  }
0x1d: {  	s5 =	simm.s32 @p1 $0x1;
	p0 =	seq.s32 s7, s2  }
0x1e: {  	s7 =	smul.u32 @!p0 $0xF7A, s2;
	p2 =	seq.s32 @!p0 s5, $0x0  }
0x1f: {  	s9 =	smul.u32 $0xF7A, s1;
	s8 =	simm.s32 @!p0 $0x1BF5;
	p2 =	por !p2, p0  }
0x20: {  	[sflag:s8] =	ssyncset.s32 @!p0 $0xFFFFF086;
	s6 =	sadd.s32 @!p0 s3, s7;
	s7 =	simm.s32 @!p0 $0x108  }
0x21: {  	s3 =	sadd.s32 s3, s9;
	s6 =	sadd.s32 @!p0 $0x88, s6;
	s7 =	simm.s32 @p2 $0x1082  }
0x22: {  	[simem:s7], [sflag:s8] =	dma.local @!p0 [hbm:s6], $0xF7A  }
0x23: {  	s9 =	sor.u32 $0xD0000000, s2;
	s6 =	simm.s32 $0x108;
	_ =	swait.ge @!p0 [sflag:s8], $0x0  }
0x24: {  	s3 =	sadd.s32 $0x88, s3;
	s6 =	simm.s32 @!p1 $0x1082;
	[sflag:s4] =	ssyncset.s32 $0xFFFFF086  }
0x25: {  	[simem:s6], [sflag:s4] =	dma.local [hbm:s3], $0xF7A  }
0x26: {  	[smem:$0x3F95] =	sst s1;
	(tag) =	ssettag s2;
	_ =	strace s9  }
0x27: {  	s1 =	sld [smem:$0x3FA5]  }
0x28: {  	s2 =	sld [smem:$0x3FA6]  }
0x29: {  	s4 =	sld [smem:$0x3FA8]  }
0x2a: {  	p0 =	seq.s32 s5, $0x0;
	s5 =	sld [smem:$0x3FA9]  }
0x2b: {  	s6 =	sld [smem:$0x3FAA]  }
0x2c: {  	s7 =	sld [smem:$0x3FAB]  }
0x2d: {  	s3 =	simm.s32 $0x108;
	s8 =	sld [smem:$0x3FAC]  }
0x2e: {  	s3 =	simm.s32 @!p0 $0x1082;
	s9 =	sld [smem:$0x3FAD]  }
0x2f: {  	lr =	sadd.s32 s0, s3;
	s0 =	sld [smem:$0x3FA4]  }
0x30: {  	s3 =	sld [smem:$0x3FA7]  }
0x31: {  	[smem:$0x3FB0] =	sst s10  }
0x32: {  	s10 =	sld [smem:$0x3FAE];
	_ =	sdelay $0x3  }
0x33: {  	p0 =	seq.s32 s10, $0x1;
	s10 =	sld [smem:$0x3FB0];
	_ =	sdelay $0x3  }
0x34: {  	[smem:$0x3FB0] =	sst s10  }
0x35: {  	s10 =	sld [smem:$0x3FAF];
	_ =	sdelay $0x3  }
0x36: {  	p1 =	seq.s32 s10, $0x1;
	s10 =	sld [smem:$0x3FB0];
	_ =	sdelay $0x3  }
0x37: {  	[smem:$0x3FB0] =	sst s10  }
0x38: {  	s10 =	sld [smem:$0x3FB1]  }
0x39: {  	_ = 	snop;
	(pc) =	sbr.ind lr, $3  }
0x3a: {  	_ = 	snop  }
0x3b: {  	_ = 	snop  }
0x3c: {  	p2 =	seq.s32 s10, $0x1;
	s10 =	sld [smem:$0x3FB0]  }
0x3d: {  	_ =	shalt  }
0x3e: {  	_ =	shalt  }
0x3f: {  	_ =	shalt  }
0x40: {  	_ =	shalt  }
0x41: {  	_ =	shalt  }
0x42: {  	_ =	shalt  }
0x43: {  	_ =	shalt  }
0x44: {  	_ =	shalt  }
0x45: {  	_ =	shalt  }
0x46: {  	_ =	shalt  }
0x47: {  	_ =	shalt  }
0x48: {  	_ =	shalt  }
0x49: {  	_ =	shalt  }
0x4a: {  	_ =	shalt  }
0x4b: {  	_ =	shalt  }
0x4c: {  	_ =	shalt  }
0x4d: {  	_ =	shalt  }
0x4e: {  	_ =	shalt  }
0x4f: {  	_ =	shalt  }
0x50: {  	_ =	shalt  }
0x51: {  	_ =	shalt  }
0x52: {  	_ =	shalt  }
0x53: {  	_ =	shalt  }
0x54: {  	_ =	shalt  }
0x55: {  	_ =	shalt  }
0x56: {  	_ =	shalt  }
0x57: {  	_ =	shalt  }
0x58: {  	_ =	shalt  }
0x59: {  	_ =	shalt  }
0x5a: {  	_ =	shalt  }
0x5b: {  	_ =	shalt  }
0x5c: {  	_ =	shalt  }
0x5d: {  	_ =	shalt  }
0x5e: {  	_ =	shalt  }
0x5f: {  	_ =	shalt  }
0x60: {  	_ =	shalt  }
0x61: {  	_ =	shalt  }
0x62: {  	_ =	shalt  }
0x63: {  	_ =	shalt  }
0x64: {  	_ =	shalt  }
0x65: {  	_ =	shalt  }
0x66: {  	_ =	shalt  }
0x67: {  	_ =	shalt  }
0x68: {  	_ =	shalt  }
0x69: {  	_ =	shalt  }
0x6a: {  	_ =	shalt  }
0x6b: {  	_ =	shalt  }
0x6c: {  	_ =	shalt  }
0x6d: {  	_ =	shalt  }
0x6e: {  	_ =	shalt  }
0x6f: {  	_ =	shalt  }
0x70: {  	_ =	shalt  }
0x71: {  	_ =	shalt  }
0x72: {  	_ =	shalt  }
0x73: {  	_ =	shalt  }
0x74: {  	_ =	shalt  }
0x75: {  	_ =	shalt  }
0x76: {  	_ =	shalt  }
0x77: {  	_ =	shalt  }
0x78: {  	_ =	shalt  }
0x79: {  	_ =	shalt  }
0x7a: {  	_ =	shalt  }
0x7b: {  	_ =	shalt  }
0x7c: {  	_ =	shalt  }
0x7d: {  	_ =	shalt  }
0x7e: {  	_ =	shalt  }
0x7f: {  	_ =	shalt  }
0x80: {  	_ =	shalt  }
0x81: {  	_ =	shalt  }
0x82: {  	_ =	shalt  }
0x83: {  	_ =	shalt  }
0x84: {  	_ =	shalt  }
0x85: {  	_ =	shalt  }
0x86: {  	_ =	shalt  }
0x87: {  	_ =	shalt  }
.Lfunc_end0:
.L_simem_size_0:
called_computation_lowered:
.L_overlay_start_0:
0x88: {  	s2 =	sld [smem:$0x3FD9]  }
0x89: {  	s3 =	sld [smem:$0x3FFE];
	_ =	sdelay $0x1  }
0x8a: {  	s1 =	srdreg.scid  }
0x8b: {  	s0 =	sand.u32 $0x1, s1  }
0x8c: {  	s16 =	sshll.u32 s0, $0xA;
	s2 =	sadd.s32 s3, s2  }
0x8d: {  	s2 =	sadd.s32 s2, s16  }
0x8e: {  	[smem:$0x3FBC] =	sst s2  }
0x8f: {  	_ = 	snop  }
0x90: {  	(tm) =	ssettm $0x1  }
0x91: {  	s17 =	sld [smem:$0x3FFB];
	_ =	sdelay $0x3  }
0x92: {  	_ =	strace s17  }
0x93: {  	s2 =	sld [smem:$0x3FFC];
	_ =	sdelay $0x3  }
0x94: {  	_ =	strace s2  }
0x95: {  	s2 =	sld [smem:$0x3FFD];
	_ =	sdelay $0x3  }
0x96: {  	_ =	strace s2  }
0x97: {  	_ =	strace $0x8FFFFFFF  }
0x98: {  	s18 =	sld [smem:$0x3FDB];
	_ =	sdelay $0x1  }
0x99: {  	s19 =	simm.s32 $_scs_section_size  }
0x9a: {  	s4 =	simm.s32 $_size__tile_overlayer_lowered;
	s5 =	simm.s32 $_tile_overlayer_lowered  }
0x9b: {  	s22 =	simm.s32 $0x1BFF;
	s21 =	sshll.u32 s5, $0x1;
	s2 =	sadd.s32 s19, s18  }
0x9c: {  	s6 =	simm.s32 $0x0;
	s20 =	sshll.u32 s4, $0x1;
	s4 =	sadd.s32 s21, s2  }
0x9d: {  	[timem:s6], [sflag:s22] =	dma.local [hbm:s4], s20  }
0x9e: {  	_ =	swait.ge [sflag:s22], s20  }
0x9f: {  	s3 =	ssub.s32 $0x0, s20;
	[sflag:s22] =	ssyncset.done $0x0  }
0xa0: {  	[sflag:s22] =	ssyncadd.s32 s3;
	_ =	sdelay $0x1  }
0xa1: {  	s23 =	simm.s32 $0x1B8B  }
0xa2: {  	_ =	swait.ge [sflag:s23], $0x1  }
0xa3: {  	[sflag:s23] =	ssyncset.done $0x0  }
0xa4: {  	s25 =	simm.s32 $0x1B8E;
	s24 =	sld [smem:$0x3FFE];
	[sflag:s23] =	ssyncadd.s32 $0xFFFFFFFF  }
0xa5: {  	s26 =	simm.s32 $execute0_lowered;
	[smem:$0x3FD2] =	sst s25  }
0xa6: {  	s4 =	sshll.u32 s26, $0x1;
	_ =	strace $0x80000046;
	[dreg:$0x1] =	wrdreg $0xFFFFFFFF  }
0xa7: {  	s28 =	simm.s32 $_size_execute0_lowered;
	s2 =	sadd.s32 s2, s4;
	[dreg:$0x0] =	wrdreg $0x0  }
0xa8: {  	s4 =	sshll.u32 s28, $0x1;
	[dreg:$0x2] =	wrdreg s2  }
0xa9: {  	[dreg:$0x3] =	wrdreg s4  }
0xaa: {  	[dreg:$0x4] =	wrdreg $0xC0  }
0xab: {  	_ =	task [dreg:s6], $0x5FFFF  }
0xac: {  	[dreg:$0x1] =	wrdreg $0xFFFFFFFF  }
0xad: {  	[dreg:$0x0] =	wrdreg $0x60  }
0xae: {  	[dreg:$0x2] =	wrdreg s24  }
0xaf: {  	[dreg:$0x3] =	wrdreg $0xA  }
0xb0: {  	_ =	task.clear_ibuf [dreg:s6], $0x4FFFF;
	_ =	strace $0x90000046  }
0xb1: {  	s29 =	simm.s32 $0xA;
	_ =	strace $0x80000048  }
0xb2: {  	_ =	swait.ge [sflag:s29], $0x1  }
0xb3: {  	[sflag:s29] =	ssyncadd.s32 $0xFFFFFFFF  }
0xb4: {  	_ =	strace $0x90000048  }
0xb5: {  	_ =	sfence  }
0xb6: {  	s30 =	sld [smem:$0x0];
	_ =	sdelay $0x2  }
0xb7: {  	s31 =	sshll.u32 s1, $0xD;
	s1 =	sshrl.u32 s1, $0x2  }
0xb8: {  	s3 =	sand.u32 $0x4000, s31;
	s1 =	sadd.s32 s1, s30  }
0xb9: {  	s0 =	sor.u32 s3, s0;
	s1 =	sshll.u32 s1, $0x11  }
0xba: {  	s0 =	sor.u32 s1, s0  }
0xbb: {  	s0 =	sadd.s32 $0x8F2B, s0  }
0xbc: {  	[sflag:s0] =	ssyncadd.remote.s32 $0x1  }
0xbd: {  	_ =	sfence.sel $0xFFFF  }
0xbe: {  	[dreg:$0x0] =	wrdreg $0xFFFFFFFF;
	(pc) =	sbr.abs _section_cstart, $3  }
0xbf: {  	[dreg:$0x1] =	wrdreg $0xFFFFFFFF  }
0xc0: {  	_ =	task.clear_ibuf [dreg:s6], $0x2FFFF;
	_ =	strace $0x9FFFFFFF  }
0xc1: {  	(tm) =	ssettm $0x7FFFFFFF  }
tec
execute0_lowered:
.L_overlay_start_1:
0x0: {  	(tag) =	ssettag $0x1  }
0x1: {  	s8 =	rddreg [dreg:$0x0]  }
0x2: {  	s0 =	rddreg [dreg:$0x1];
	_ =	strace $0x80000047;
	s1 =	stileid.u32  }
0x3: {  	s3 =	srdreg.scid;
	s4 =	simm.s32 $0x1;
	s7 =	simm.s32 $0x1  }
0x4: {  	s9 =	simm.s32 $0x1;
	s10 =	simm.s32 $0x3;
	s13 =	simm.s32 $0x0  }
0x5: {  	s12 =	simm.s32 $0x0;
	s5 =	sand.u32 $0x1, s3;
	s6 =	sshll.u32 s1, $0x1  }
0x6: {  	s2 =	sadd.s32 $0x3200, s8;
	s3 =	sadd.s32 $0xD200, s8;
	s5 =	sor.u32 s6, s5  }
.Ltmp0:
0x7: {  	[sflag:s4] =	ssyncpa.u1 $0x0;
	p0 =	slt.u32 s5, $0x9;
	(pc) =	sbr.rel .LBB2_1-.Ltmp0, $4  }
0x8: {  	s6 =	simm.s32 $0x2;
	s7 =	simm.s32 @!p0 $0x0;
	p0 =	sne.s32 s5, $0x8  }
0x9: {  	[sflag:s6] =	ssyncpa.u1 $0x0;
	s5 =	smul.u32 $0xFA0, s5;
	s9 =	simm.s32 @!p0 $0x0  }
0xa: {  	s8 =	sadd.s32 $0x68200, s8;
	[sflag:s10] =	ssyncpa.u1 $0x0;
	s7 =	sadd.s32 s9, s7  }
0xb: {  	vm0 =	vmmov $0xffff;
	s10 =	simm.s32 $0x0;
	s11 =	smov.u32 s5;
	s9 =	sadd.s32 $0x1, s7  }
.LBB2_4:
0xc: {  	v2 =	vnsel vm1, $0x0, v2  }
0xd: {  	vm1 =	vgt.s32 v0, $0x0;
	v2 =	vmin.u32 v2, $0x270FF  }
0xe: {  	v0 =	vnsel vm1, $0x0, v0  }
0xf: {  	v0 =	vmin.u32 v0, $0x270FF  }
0x10: {  	[tilespmem:s18], [sflag:$0x1] =	stream.indirect_vreg.gather [hbm4b:s2+s10], $0x1, v1, vm0, $0x4038;
	[tilespmem:$0x3E80] =	vst v63  }
0x11: {  	(ifvalue) =	ssetifvalue $0x7FFFFFFF  }
0x12: {  	[tilespmem:s15], [sflag:$0x1] =	stream.indirect_vreg.gather [hbm4b:s2+s10], $0x1, v2, vm0, $0x4038;
	[tilespmem:$0x3E80] =	vst v63  }
0x13: {  	s29 =	sadd.s32 $0x10, s15;
	(ifvalue) =	ssetifvalue $0x7FFFFFFF  }
0x14: {  	[tilespmem:s29], [sflag:$0x1] =	stream.indirect_vreg.gather [hbm4b:s2+s10], $0x1, v0, vm0, $0x4038;
	[tilespmem:$0x3E80] =	vst v63  }
0x15: {  	_ =	swait.ge [sflag:s4], $0xFA0  }
0x16: {  	s30 =	sshrl.u32 s13, $0x3;
	[sflag:s4] =	ssyncset.done $0x0  }
0x17: {  	s31 =	sand.u32 $0x7, s13;
	s15 =	sadd.s32 s8, s30;
	[sflag:s4] =	ssyncadd.s32 $0xFFFFF060  }
0x18: {  	[hbm4b:s15+s31] =	stream.linear.scatter [tilespmem:s14], [sflag:$0x3], $0xFA0, $0x38;
	[tilespmem:$0x3E80] =	vst v63  }
.LBB2_5:
0x19: {  	s15 =	sadd.s32 $0x1F400, s11  }
0x1a: {  	p1 =	sgt.s32 s15, $0x270FF  }
0x1b: {  	s15 =	smov.u32 @p1 s5;
	p1 =	sne.s32 s12, s9  }
.Ltmp1:
0x1c: {  	p0 =	slt.u32 s12, $0x2;
	(pc) =	sbr.rel @!p1 .LBB2_6-.Ltmp1, $4  }
0x1d: {  	s14 =	simm.s32 @!p0 $0x3  }
0x1e: {  	_ =	swait.ge @!p0 [sflag:s14], $0xFA0  }
0x1f: {  	s16 =	sadd.s32 $0x1, s12;
	s13 =	smov.u32 s11;
	[sflag:s14] =	ssyncset.done @!p0 $0x0  }
0x20: {  	s12 =	smov.u32 s16;
	s11 =	smov.u32 s15;
	[sflag:s14] =	ssyncadd.s32 @!p0 $0xFFFFF060  }
.LBB2_1:
0x21: {  	p0 =	sge.u32 s12, s7  }
0x22: {  	s14 =	sxor.u32 @!p0 $0x1, s12  }
0x23: {  	s14 =	smul.u32 @!p0 $0x3E80, s14  }
0x24: {  	s31 =	sadd.s32 $0xFFFFFFFF, s12;
	s15 =	sshrl.u32 @!p0 s11, $0x3  }
0x25: {  	s16 =	sand.u32 @!p0 $0x7, s11;
	s15 =	sadd.s32 @!p0 s3, s15;
	s14 =	sshra.s32 @!p0 s14, $0x2  }
0x26: {  	[tilespmem:s14], [sflag:$0x2] =	stream.linear.gather @!p0 [hbm4b:s15+s16], $0xFA0, $0x38;
	[tilespmem:$0x3E80] =	vst v63  }
0x27: {  	p0 =	sge.u32 s31, s7  }
.Ltmp2:
0x28: {  	_ = 	snop;
	(pc) =	sbr.rel @p0 .LBB2_5-.Ltmp2, $1  }
0x29: {  	_ =	sdelay $0x3  }
0x2a: {  	s14 =	sand.u32 $0x1, s12  }
0x2b: {  	_ =	swait.ge [sflag:s6], $0xFA0;
	p0 =	seq.s32 s14, $0x1;
	s14 =	simm.s32 $0xFA0  }
0x2c: {  	[sflag:s6] =	ssyncset.done $0x0;
	s14 =	simm.s32 @!p0 $0x0  }
0x2d: {  	[sflag:s6] =	ssyncadd.s32 $0xFFFFF060;
	(ifvalue) =	ssetifvalue $0x7FFFFFFF;
	v0 =	vld.msk [tilespmem:s14+$0x0 ss:$0x1], $0xffff;
	_ =	sdelay $0x4  }
0x2e: {  	s15 =	sadd.s32 $0x10, s14;
	vm1 =	vgt.s32 v0, $0x0  }
0x2f: {  	v2 =	vld.msk [tilespmem:s15+$0x0 ss:$0x1], $0xffff;
	v1 =	vnsel vm1, $0x0, v0  }
0x30: {  	v1 =	vmin.u32 v1, $0x270FF;
	_ =	sdelay $0x2  }
0x31: {  	s17 =	simm.s32 $0x20;
	s14 =	sadd.s32 $0x1F40, s14;
	s16 =	sadd.s32 $0x10, s15  }
0x32: {  	s15 =	sadd.s32 $0x10, s14;
	s18 =	smov.u32 s14;
	v0 =	vld.msk [tilespmem:s16+$0x0 ss:$0x1], $0xffff;
	vm1 =	vgt.s32 v2, $0x0;
	(ifvalue) =	ssetifvalue $0x7FFFFFFF  }
.LBB2_3:
0x33: {  	[tilespmem:s18], [sflag:$0x1] =	stream.indirect_vreg.gather [hbm4b:s2+s10], $0x1, v1, vm0, $0x4038;
	[tilespmem:$0x3E80] =	vst v63  }
0x34: {  	s17 =	sadd.s32 $0x10, s17  }
0x35: {  	v2 =	vnsel vm1, $0x0, v2;
	p0 =	slt.u32 s17, $0xF90  }
.Ltmp3:
0x36: {  	s18 =	smov.u32 s15;
	v1 =	vmin.u32 v2, $0x270FF;
	(pc) =	sbr.rel @p0 .LBB2_3-.Ltmp3, $3  }
0x37: {  	_ =	sdelay $0x1  }
0x38: {  	s16 =	sadd.s32 $0x10, s16  }
0x39: {  	vm1 =	vgt.s32 v0, $0x0;
	s15 =	sadd.s32 $0x10, s15;
	v2 =	vmov v0;
	(ifvalue) =	ssetifvalue $0x7FFFFFFF;
	v0 =	vld.msk [tilespmem:s16+$0x0 ss:$0x1], $0xffff  }
.Ltmp4:
0x3a: {  	_ = 	snop;
	(pc) =	sbr.rel .LBB2_4-.Ltmp4, $1  }
0x3b: {  	_ =	sdelay $0x3  }
.LBB2_6:
0x3c: {  	_ =	sfence.sel $0x180000  }
0x3d: {  	s2 =	simm.s32 $0x2;
	[bflag:$0x0] =	sbarrier.arrive $0xFFFF  }
0x3e: {  	s30 =	simm.s32 $0x3;
	[sflag:s2] =	ssyncpa.u1 $0x1  }
0x3f: {  	s31 =	simm.s32 $0x1;
	[sflag:s30] =	ssyncpa.u1 $0x1  }
0x40: {  	[sflag:s31] =	ssyncpa.u1 $0x1  }
0x41: {  	p0 =	sne.s32 s1, $0x0;
	_ =	strace $0x90000047  }
0x42: {  	s0 =	sadd.s32 @!p0 $0x100000, s0;
	[bflag:$0x2] =	sbarrier.arrive $0xFFFF  }
0x43: {  	[sflag:s0] =	ssyncadd.tile.s32 @!p0 $0x1;
	_ =	shalt  }
.Lfunc_end2:
_tile_overlayer_lowered:
.L_overlay_start_2:
0x44: {  	(tag) =	ssettag $0x2  }
0x45: {  	s0 =	rddreg [dreg:$0x0];
	s2 =	stileid.u32  }
0x46: {  	s1 =	rddreg [dreg:$0x1];
	p0 =	sne.s32 s2, $0x0  }
0x47: {  	s3 =	rddreg [dreg:$0x2];
	[bflag:$0x3] =	sbarrier.arrive $0xFFFF;
	s2 =	simm.s32 @!p0 $0x1C01  }
0x48: {  	[timem:s3], [sflag:s2] =	dma.local @!p0 [hbm:s0], s1  }
0x49: {  	s0 =	simm.s32 @!p0 $0x1  }
0x4a: {  	_ =	swait.ge @!p0 [sflag:s0], s1  }
0x4b: {  	s1 =	ssub.s32 @!p0 $0x0, s1;
	[sflag:s0] =	ssyncset.done @!p0 $0x0  }
0x4c: {  	[sflag:s0] =	ssyncadd.s32 @!p0 s1  }
0x4d: {  	[bflag:$0x3] =	sbarrier.arrive $0xFFFF  }
0x4e: {  	_ =	shalt  }

// kernel: kernel.12.cloned.1.call-start
scs
__scs_entry_jumppad:
0x0: {  	(pc) =	sbr.rel $0x88, $3  }
0x1: {  	(tag) =	ssettag $0x0;
	lr =	simm.s32 $0x1  }
0x2: {  	[smem:$0x3F95] =	sst lr;
	_ =	strace $0xD0000000  }
0x3: {  	_ = 	snop  }
0x4: {  	_ = 	snop  }
0x5: {  	_ = 	snop  }
0x6: {  	_ = 	snop  }
0x7: {  	_ = 	snop  }
__scs_overlays_trampoline_lowered:
0x8: {  	[smem:$0x3FA4] =	sst s0  }
0x9: {  	[smem:$0x3FA5] =	sst s1  }
0xa: {  	[smem:$0x3FA6] =	sst s2  }
0xb: {  	[smem:$0x3FA7] =	sst s3  }
0xc: {  	[smem:$0x3FA8] =	sst s4  }
0xd: {  	[smem:$0x3FA9] =	sst s5  }
0xe: {  	[smem:$0x3FAA] =	sst s6  }
0xf: {  	[smem:$0x3FAB] =	sst s7  }
0x10: {  	[smem:$0x3FAC] =	sst s8  }
0x11: {  	[smem:$0x3FAD] =	sst s9;
	s0 =	simm.s32 @!p0 $0x0  }
0x12: {  	s1 =	sld [smem:$0x3F93];
	s0 =	simm.s32 @p0 $0x1  }
0x13: {  	[smem:$0x3FAE] =	sst s0;
	s0 =	simm.s32 @!p1 $0x0  }
0x14: {  	s2 =	sld [smem:$0x3F92];
	s0 =	simm.s32 @p1 $0x1  }
0x15: {  	[smem:$0x3FAF] =	sst s0;
	s0 =	simm.s32 @!p2 $0x0  }
0x16: {  	s3 =	sld [smem:$0x3FDB];
	s0 =	simm.s32 @p2 $0x1  }
0x17: {  	s4 =	simm.s32 $0x1BF5;
	[smem:$0x3FB1] =	sst s0  }
0x18: {  	s0 =	sld [smem:$0x3F94];
	_ =	swait.ge [sflag:s4], $0x0  }
0x19: {  	s7 =	sld [smem:$0x3F95]  }
0x1a: {  	s8 =	sadd.s32 $0xFFFFE003, lr  }
0x1b: {  	s9 =	sadd.s32 $0xFFFFFEF7, lr;
	s5 =	simm.s32 $0xFFFFFFFF;
	p2 =	slt.u32 s8, $0xFFFFF086  }
0x1c: {  	p1 =	slt.u32 s9, $0xF7A;
	s5 =	simm.s32 @!p2 $0x0  }
0x1d: {  	s5 =	simm.s32 @p1 $0x1;
	p0 =	seq.s32 s7, s2  }
0x1e: {  	s7 =	smul.u32 @!p0 $0xF7A, s2;
	p2 =	seq.s32 @!p0 s5, $0x0  }
0x1f: {  	s9 =	smul.u32 $0xF7A, s1;
	s8 =	simm.s32 @!p0 $0x1BF5;
	p2 =	por !p2, p0  }
0x20: {  	[sflag:s8] =	ssyncset.s32 @!p0 $0xFFFFF086;
	s6 =	sadd.s32 @!p0 s3, s7;
	s7 =	simm.s32 @!p0 $0x108  }
0x21: {  	s3 =	sadd.s32 s3, s9;
	s6 =	sadd.s32 @!p0 $0x88, s6;
	s7 =	simm.s32 @p2 $0x1082  }
0x22: {  	[simem:s7], [sflag:s8] =	dma.local @!p0 [hbm:s6], $0xF7A  }
0x23: {  	s9 =	sor.u32 $0xD0000000, s2;
	s6 =	simm.s32 $0x108;
	_ =	swait.ge @!p0 [sflag:s8], $0x0  }
0x24: {  	s3 =	sadd.s32 $0x88, s3;
	s6 =	simm.s32 @!p1 $0x1082;
	[sflag:s4] =	ssyncset.s32 $0xFFFFF086  }
0x25: {  	[simem:s6], [sflag:s4] =	dma.local [hbm:s3], $0xF7A  }
0x26: {  	[smem:$0x3F95] =	sst s1;
	(tag) =	ssettag s2;
	_ =	strace s9  }
0x27: {  	s1 =	sld [smem:$0x3FA5]  }
0x28: {  	s2 =	sld [smem:$0x3FA6]  }
0x29: {  	s4 =	sld [smem:$0x3FA8]  }
0x2a: {  	p0 =	seq.s32 s5, $0x0;
	s5 =	sld [smem:$0x3FA9]  }
0x2b: {  	s6 =	sld [smem:$0x3FAA]  }
0x2c: {  	s7 =	sld [smem:$0x3FAB]  }
0x2d: {  	s3 =	simm.s32 $0x108;
	s8 =	sld [smem:$0x3FAC]  }
0x2e: {  	s3 =	simm.s32 @!p0 $0x1082;
	s9 =	sld [smem:$0x3FAD]  }
0x2f: {  	lr =	sadd.s32 s0, s3;
	s0 =	sld [smem:$0x3FA4]  }
0x30: {  	s3 =	sld [smem:$0x3FA7]  }
0x31: {  	[smem:$0x3FB0] =	sst s10  }
0x32: {  	s10 =	sld [smem:$0x3FAE];
	_ =	sdelay $0x3  }
0x33: {  	p0 =	seq.s32 s10, $0x1;
	s10 =	sld [smem:$0x3FB0];
	_ =	sdelay $0x3  }
0x34: {  	[smem:$0x3FB0] =	sst s10  }
0x35: {  	s10 =	sld [smem:$0x3FAF];
	_ =	sdelay $0x3  }
0x36: {  	p1 =	seq.s32 s10, $0x1;
	s10 =	sld [smem:$0x3FB0];
	_ =	sdelay $0x3  }
0x37: {  	[smem:$0x3FB0] =	sst s10  }
0x38: {  	s10 =	sld [smem:$0x3FB1]  }
0x39: {  	_ = 	snop;
	(pc) =	sbr.ind lr, $3  }
0x3a: {  	_ = 	snop  }
0x3b: {  	_ = 	snop  }
0x3c: {  	p2 =	seq.s32 s10, $0x1;
	s10 =	sld [smem:$0x3FB0]  }
0x3d: {  	_ =	shalt  }
0x3e: {  	_ =	shalt  }
0x3f: {  	_ =	shalt  }
0x40: {  	_ =	shalt  }
0x41: {  	_ =	shalt  }
0x42: {  	_ =	shalt  }
0x43: {  	_ =	shalt  }
0x44: {  	_ =	shalt  }
0x45: {  	_ =	shalt  }
0x46: {  	_ =	shalt  }
0x47: {  	_ =	shalt  }
0x48: {  	_ =	shalt  }
0x49: {  	_ =	shalt  }
0x4a: {  	_ =	shalt  }
0x4b: {  	_ =	shalt  }
0x4c: {  	_ =	shalt  }
0x4d: {  	_ =	shalt  }
0x4e: {  	_ =	shalt  }
0x4f: {  	_ =	shalt  }
0x50: {  	_ =	shalt  }
0x51: {  	_ =	shalt  }
0x52: {  	_ =	shalt  }
0x53: {  	_ =	shalt  }
0x54: {  	_ =	shalt  }
0x55: {  	_ =	shalt  }
0x56: {  	_ =	shalt  }
0x57: {  	_ =	shalt  }
0x58: {  	_ =	shalt  }
0x59: {  	_ =	shalt  }
0x5a: {  	_ =	shalt  }
0x5b: {  	_ =	shalt  }
0x5c: {  	_ =	shalt  }
0x5d: {  	_ =	shalt  }
0x5e: {  	_ =	shalt  }
0x5f: {  	_ =	shalt  }
0x60: {  	_ =	shalt  }
0x61: {  	_ =	shalt  }
0x62: {  	_ =	shalt  }
0x63: {  	_ =	shalt  }
0x64: {  	_ =	shalt  }
0x65: {  	_ =	shalt  }
0x66: {  	_ =	shalt  }
0x67: {  	_ =	shalt  }
0x68: {  	_ =	shalt  }
0x69: {  	_ =	shalt  }
0x6a: {  	_ =	shalt  }
0x6b: {  	_ =	shalt  }
0x6c: {  	_ =	shalt  }
0x6d: {  	_ =	shalt  }
0x6e: {  	_ =	shalt  }
0x6f: {  	_ =	shalt  }
0x70: {  	_ =	shalt  }
0x71: {  	_ =	shalt  }
0x72: {  	_ =	shalt  }
0x73: {  	_ =	shalt  }
0x74: {  	_ =	shalt  }
0x75: {  	_ =	shalt  }
0x76: {  	_ =	shalt  }
0x77: {  	_ =	shalt  }
0x78: {  	_ =	shalt  }
0x79: {  	_ =	shalt  }
0x7a: {  	_ =	shalt  }
0x7b: {  	_ =	shalt  }
0x7c: {  	_ =	shalt  }
0x7d: {  	_ =	shalt  }
0x7e: {  	_ =	shalt  }
0x7f: {  	_ =	shalt  }
0x80: {  	_ =	shalt  }
0x81: {  	_ =	shalt  }
0x82: {  	_ =	shalt  }
0x83: {  	_ =	shalt  }
0x84: {  	_ =	shalt  }
0x85: {  	_ =	shalt  }
0x86: {  	_ =	shalt  }
0x87: {  	_ =	shalt  }
.Lfunc_end0:
.L_simem_size_0:
called_computation.3_lowered:
.L_overlay_start_0:
0x88: {  	s2 =	sld [smem:$0x3FD9]  }
0x89: {  	s3 =	sld [smem:$0x3FFE];
	_ =	sdelay $0x1  }
0x8a: {  	s1 =	srdreg.scid  }
0x8b: {  	s0 =	sand.u32 $0x1, s1  }
0x8c: {  	s16 =	sshll.u32 s0, $0xA;
	s2 =	sadd.s32 s3, s2  }
0x8d: {  	s2 =	sadd.s32 s2, s16  }
0x8e: {  	[smem:$0x3FBC] =	sst s2  }
0x8f: {  	_ = 	snop  }
0x90: {  	(tm) =	ssettm $0x1  }
0x91: {  	s17 =	sld [smem:$0x3FFB];
	_ =	sdelay $0x3  }
0x92: {  	_ =	strace s17  }
0x93: {  	s2 =	sld [smem:$0x3FFC];
	_ =	sdelay $0x3  }
0x94: {  	_ =	strace s2  }
0x95: {  	s2 =	sld [smem:$0x3FFD];
	_ =	sdelay $0x3  }
0x96: {  	_ =	strace s2  }
0x97: {  	_ =	strace $0x8FFFFFFF  }
0x98: {  	s18 =	sld [smem:$0x3FDB];
	_ =	sdelay $0x1  }
0x99: {  	s19 =	simm.s32 $_scs_section_size  }
0x9a: {  	s4 =	simm.s32 $_size__tile_overlayer_lowered;
	s5 =	simm.s32 $_tile_overlayer_lowered  }
0x9b: {  	s22 =	simm.s32 $0x1BFF;
	s21 =	sshll.u32 s5, $0x1;
	s2 =	sadd.s32 s19, s18  }
0x9c: {  	s6 =	simm.s32 $0x0;
	s20 =	sshll.u32 s4, $0x1;
	s4 =	sadd.s32 s21, s2  }
0x9d: {  	[timem:s6], [sflag:s22] =	dma.local [hbm:s4], s20  }
0x9e: {  	_ =	swait.ge [sflag:s22], s20  }
0x9f: {  	s3 =	ssub.s32 $0x0, s20;
	[sflag:s22] =	ssyncset.done $0x0  }
0xa0: {  	[sflag:s22] =	ssyncadd.s32 s3;
	_ =	sdelay $0x1  }
0xa1: {  	s23 =	simm.s32 $0x1B8B  }
0xa2: {  	_ =	swait.ge [sflag:s23], $0x1  }
0xa3: {  	[sflag:s23] =	ssyncset.done $0x0  }
0xa4: {  	s25 =	simm.s32 $0x1B8E;
	s24 =	sld [smem:$0x3FFE];
	[sflag:s23] =	ssyncadd.s32 $0xFFFFFFFF  }
0xa5: {  	s26 =	simm.s32 $execute0_lowered;
	[smem:$0x3FD2] =	sst s25  }
0xa6: {  	s4 =	sshll.u32 s26, $0x1;
	_ =	strace $0x8000004F;
	[dreg:$0x1] =	wrdreg $0xFFFFFFFF  }
0xa7: {  	s28 =	simm.s32 $_size_execute0_lowered;
	s2 =	sadd.s32 s2, s4;
	[dreg:$0x0] =	wrdreg $0x0  }
0xa8: {  	s4 =	sshll.u32 s28, $0x1;
	[dreg:$0x2] =	wrdreg s2  }
0xa9: {  	[dreg:$0x3] =	wrdreg s4  }
0xaa: {  	[dreg:$0x4] =	wrdreg $0xC0  }
0xab: {  	_ =	task [dreg:s6], $0x5FFFF  }
0xac: {  	[dreg:$0x1] =	wrdreg $0xFFFFFFFF  }
0xad: {  	[dreg:$0x0] =	wrdreg $0x60  }
0xae: {  	[dreg:$0x2] =	wrdreg s24  }
0xaf: {  	[dreg:$0x3] =	wrdreg $0x9  }
0xb0: {  	_ =	task.clear_ibuf [dreg:s6], $0x4FFFF;
	_ =	strace $0x9000004F  }
0xb1: {  	s29 =	simm.s32 $0x9;
	_ =	strace $0x80000051  }
0xb2: {  	_ =	swait.ge [sflag:s29], $0x1  }
0xb3: {  	[sflag:s29] =	ssyncadd.s32 $0xFFFFFFFF  }
0xb4: {  	_ =	strace $0x90000051  }
0xb5: {  	_ =	sfence  }
0xb6: {  	s30 =	sld [smem:$0x0];
	_ =	sdelay $0x2  }
0xb7: {  	s31 =	sshll.u32 s1, $0xD;
	s1 =	sshrl.u32 s1, $0x2  }
0xb8: {  	s3 =	sand.u32 $0x4000, s31;
	s1 =	sadd.s32 s1, s30  }
0xb9: {  	s0 =	sor.u32 s3, s0;
	s1 =	sshll.u32 s1, $0x11  }
0xba: {  	s0 =	sor.u32 s1, s0  }
0xbb: {  	s0 =	sadd.s32 $0x8F2B, s0  }
0xbc: {  	[sflag:s0] =	ssyncadd.remote.s32 $0x1  }
0xbd: {  	_ =	sfence.sel $0xFFFF  }
0xbe: {  	[dreg:$0x0] =	wrdreg $0xFFFFFFFF;
	(pc) =	sbr.abs _section_cstart, $3  }
0xbf: {  	[dreg:$0x1] =	wrdreg $0xFFFFFFFF  }
0xc0: {  	_ =	task.clear_ibuf [dreg:s6], $0x2FFFF;
	_ =	strace $0x9FFFFFFF  }
0xc1: {  	(tm) =	ssettm $0x7FFFFFFF  }
tec
execute0_lowered:
.L_overlay_start_1:
0x0: {  	(tag) =	ssettag $0x1  }
0x1: {  	s0 =	srdreg.scid;
	s3 =	stileid.u32  }
0x2: {  	s0 =	sand.u32 $0x1, s0;
	s1 =	smul.u32 $0x2710, s3  }
0x3: {  	s2 =	smul.u32 $0x1388, s0;
	_ =	sdelay $0x1  }
0x4: {  	s4 =	rddreg [dreg:$0x0];
	s1 =	sadd.s32 s2, s1;
	s2 =	simm.s32 $0x0  }
0x5: {  	s19 =	simm.s32 $0x900;
	[smem:$0x7FF] =	sst s2  }
0x6: {  	s20 =	simm.s32 $0x1100;
	_ =	strace $0x80000050;
	[dreg:$0x3] =	wrdreg s19  }
0x7: {  	s21 =	simm.s32 $0x1900;
	[dreg:$0x4] =	wrdreg s20  }
0x8: {  	s22 =	simm.s32 $0x2100;
	[dreg:$0x5] =	wrdreg s21  }
0x9: {  	s23 =	simm.s32 $0x2900;
	[dreg:$0x6] =	wrdreg s22  }
0xa: {  	s24 =	simm.s32 $0x3100;
	[dreg:$0x7] =	wrdreg s23  }
0xb: {  	s25 =	simm.s32 $0x3900;
	[dreg:$0x8] =	wrdreg s24  }
0xc: {  	s26 =	simm.s32 $0x4100;
	[dreg:$0x9] =	wrdreg s25  }
0xd: {  	s5 =	simm.s32 $0x4900;
	[dreg:$0xa] =	wrdreg s26  }
0xe: {  	s6 =	simm.s32 $0x5100;
	[dreg:$0xb] =	wrdreg s5  }
0xf: {  	s7 =	simm.s32 $0x5900;
	[dreg:$0xc] =	wrdreg s6  }
0x10: {  	s8 =	simm.s32 $0x6100;
	s9 =	simm.s32 $0x6900;
	[dreg:$0xd] =	wrdreg s7  }
0x11: {  	s10 =	simm.s32 $0x7100;
	s11 =	simm.s32 $0x7900;
	[dreg:$0xe] =	wrdreg s8  }
0x12: {  	s12 =	simm.s32 $0x8100;
	s13 =	simm.s32 $0x8900;
	[dreg:$0xf] =	wrdreg s9  }
0x13: {  	s14 =	simm.s32 $0x9100;
	s15 =	simm.s32 $0x9900;
	[dreg:$0x10] =	wrdreg s10  }
0x14: {  	s16 =	simm.s32 $0xA100;
	s18 =	simm.s32 $0xA900;
	[dreg:$0x11] =	wrdreg s11  }
0x15: {  	s28 =	simm.s32 $0x18100;
	s29 =	simm.s32 $0x18900;
	[dreg:$0x12] =	wrdreg s12  }
0x16: {  	s30 =	simm.s32 $0x1;
	s31 =	simm.s32 $0x0;
	[dreg:$0x13] =	wrdreg s13  }
0x17: {  	s17 =	ssub.s32 $0x2, s0;
	s1 =	sshrl.u32 s1, $0x3;
	[dreg:$0x14] =	wrdreg s14  }
0x18: {  	s0 =	smul.u32 $0x4E200, s0;
	s1 =	sadd.s32 s1, s4;
	[dreg:$0x15] =	wrdreg s15  }
0x19: {  	s5 =	smul.u32 $0x9C400, s3;
	s3 =	sadd.s32 $0x10D200, s4;
	[dreg:$0x16] =	wrdreg s16  }
0x1a: {  	s7 =	sshrl.u32 s17, $0x1;
	[dreg:$0x17] =	wrdreg s18;
	s19 =	simm.s32 $0xB100  }
0x1b: {  	s20 =	simm.s32 $0xB900;
	s21 =	simm.s32 $0xC100;
	s22 =	simm.s32 $0xC900  }
0x1c: {  	s23 =	simm.s32 $0xD100;
	s24 =	simm.s32 $0xD900;
	[dreg:$0x18] =	wrdreg s19  }
0x1d: {  	s25 =	simm.s32 $0xE100;
	s26 =	simm.s32 $0xE900;
	[dreg:$0x19] =	wrdreg s20  }
0x1e: {  	s8 =	simm.s32 $0x100;
	s9 =	simm.s32 $0xF100;
	[dreg:$0x1a] =	wrdreg s21  }
0x1f: {  	s10 =	simm.s32 $0xF900;
	s11 =	simm.s32 $0x10100;
	[dreg:$0x1b] =	wrdreg s22  }
0x20: {  	s12 =	simm.s32 $0x10900;
	s13 =	simm.s32 $0x11100;
	[dreg:$0x1c] =	wrdreg s23  }
0x21: {  	s14 =	simm.s32 $0x11900;
	s15 =	simm.s32 $0x12100;
	[dreg:$0x1d] =	wrdreg s24  }
0x22: {  	s16 =	simm.s32 $0x12900;
	s18 =	simm.s32 $0x13900;
	[dreg:$0x1e] =	wrdreg s25  }
0x23: {  	s1 =	sadd.s32 $0x68200, s1;
	[dreg:$0x1f] =	wrdreg s26;
	s19 =	simm.s32 $0x14100  }
0x24: {  	s20 =	simm.s32 $0x14900;
	s21 =	simm.s32 $0x15100;
	s22 =	simm.s32 $0x15900  }
0x25: {  	s23 =	simm.s32 $0x16100;
	s24 =	simm.s32 $0x16900;
	s25 =	simm.s32 $0x17100  }
0x26: {  	[dreg:$0x2] =	wrdreg s1;
	s6 =	sadd.s32 s5, s4;
	s5 =	ssub.s32 s17, s7  }
0x27: {  	v2 =	vlaneseq.u32;
	s4 =	sadd.s32 $0x10D300, s4;
	s5 =	smax.u32 s5, $0x1;
	s0 =	sadd.s32 s0, s6  }
0x28: {  	vm0 =	vmmov $0xffff;
	v1 =	vshrl.u32 v2, $0x3;
	s26 =	simm.s32 $0x17900;
	[smem:$0x7FC] =	sst s5;
	s0 =	sadd.s32 $0xD4C200, s0  }
0x29: {  	v0 =	vand.u32 $0x7, v2;
	v2 =	vor.u32 $0x8, v2;
	v1 =	vmul.u32 $0x8, v1;
	s7 =	simm.s32 $0x2;
	s17 =	simm.s32 $0x13100;
	[smem:$0x7FD] =	sst s0  }
.LBB2_1:
0x2a: {  	s6 =	sld [smem:$0x7FD];
	s0 =	simm.s32 $0x0  }
.LBB2_2:
0x2b: {  	s5 =	rddreg [dreg:$0x2]  }
0x2c: {  	s5 =	sadd.s32 s0, s5  }
0x2d: {  	[tilespmem:s2], [sflag:$0x2] =	stream.linear.gather [hbm4b:s5+s2], $0xC8, $0x38;
	[tilespmem:$0x19100] =	vst v63  }
0x2e: {  	_ =	swait.ge [sflag:s7], $0xC8  }
0x2f: {  	[sflag:s7] =	ssyncset.done $0x0  }
0x30: {  	[sflag:s7] =	ssyncadd.s32 $0xFFFFFF38  }
0x31: {  	v3 =	vld [tilespmem:$0x0];
	_ =	sdelay $0x4  }
0x32: {  	v4 =	vshll.u32 v3, $0x2  }
0x33: {  	v3 =	vand.u32 $0x7, v3;
	v4 =	vand.u32 $0xFFFFFFE0, v4  }
0x34: {  	v3 =	vor.u32 v3, v4  }
0x35: {  	v4 =	vperm.xlane v3, v0;
	_ =	sdelay $0x1  }
0x36: {  	v4 =	vadd.s32 v1, v4;
	_ =	sdelay $0x1  }
0x37: {  	v3 =	vperm.xlane v3, v2;
	_ =	sdelay $0x1  }
0x38: {  	v3 =	vadd.s32 v1, v3  }
0x39: {  	[tilespmem:s8], [sflag:$0x1] =	stream.indirect_vreg.gather [hbm4b:s3+s2], $0x80, v4, vm0, $0xb8;
	[tilespmem:$0x19100] =	vst v63  }
0x3a: {  	s5 =	rddreg [dreg:$0x3]  }
0x3b: {  	[tilespmem:s5], [sflag:$0x1] =	stream.indirect_vreg.gather [hbm4b:s4+s2], $0x80, v4, vm0, $0xb8;
	[tilespmem:$0x19100] =	vst v63  }
0x3c: {  	s1 =	rddreg [dreg:$0x4]  }
0x3d: {  	[tilespmem:s1], [sflag:$0x1] =	stream.indirect_vreg.gather [hbm4b:s3+s2], $0x80, v3, vm0, $0xb8;
	[tilespmem:$0x19100] =	vst v63  }
0x3e: {  	s5 =	rddreg [dreg:$0x5]  }
0x3f: {  	[tilespmem:s5], [sflag:$0x1] =	stream.indirect_vreg.gather [hbm4b:s4+s2], $0x80, v3, vm0, $0xb8;
	[tilespmem:$0x19100] =	vst v63  }
0x40: {  	v3 =	vld [tilespmem:$0x10];
	_ =	sdelay $0x4  }
0x41: {  	v52 =	vshll.u32 v3, $0x2  }
0x42: {  	v3 =	vand.u32 $0x7, v3;
	v4 =	vand.u32 $0xFFFFFFE0, v52  }
0x43: {  	v3 =	vor.u32 v3, v4  }
0x44: {  	v4 =	vperm.xlane v3, v0;
	_ =	sdelay $0x1  }
0x45: {  	v4 =	vadd.s32 v1, v4;
	_ =	sdelay $0x1  }
0x46: {  	v3 =	vperm.xlane v3, v2;
	_ =	sdelay $0x1  }
0x47: {  	s1 =	rddreg [dreg:$0x6];
	v3 =	vadd.s32 v1, v3  }
0x48: {  	[tilespmem:s1], [sflag:$0x1] =	stream.indirect_vreg.gather [hbm4b:s3+s2], $0x80, v4, vm0, $0xb8;
	[tilespmem:$0x19100] =	vst v63  }
0x49: {  	s5 =	rddreg [dreg:$0x7]  }
0x4a: {  	[tilespmem:s5], [sflag:$0x1] =	stream.indirect_vreg.gather [hbm4b:s4+s2], $0x80, v4, vm0, $0xb8;
	[tilespmem:$0x19100] =	vst v63  }
0x4b: {  	s1 =	rddreg [dreg:$0x8]  }
0x4c: {  	[tilespmem:s1], [sflag:$0x1] =	stream.indirect_vreg.gather [hbm4b:s3+s2], $0x80, v3, vm0, $0xb8;
	[tilespmem:$0x19100] =	vst v63  }
0x4d: {  	s5 =	rddreg [dreg:$0x9]  }
0x4e: {  	[tilespmem:s5], [sflag:$0x1] =	stream.indirect_vreg.gather [hbm4b:s4+s2], $0x80, v3, vm0, $0xb8;
	[tilespmem:$0x19100] =	vst v63  }
0x4f: {  	v3 =	vld [tilespmem:$0x20];
	_ =	sdelay $0x4  }
0x50: {  	v53 =	vshll.u32 v3, $0x2  }
0x51: {  	v3 =	vand.u32 $0x7, v3;
	v4 =	vand.u32 $0xFFFFFFE0, v53  }
0x52: {  	v3 =	vor.u32 v3, v4  }
0x53: {  	v4 =	vperm.xlane v3, v0;
	_ =	sdelay $0x1  }
0x54: {  	v4 =	vadd.s32 v1, v4;
	_ =	sdelay $0x1  }
0x55: {  	v3 =	vperm.xlane v3, v2;
	_ =	sdelay $0x1  }
0x56: {  	s1 =	rddreg [dreg:$0xa];
	v3 =	vadd.s32 v1, v3  }
0x57: {  	[tilespmem:s1], [sflag:$0x1] =	stream.indirect_vreg.gather [hbm4b:s3+s2], $0x80, v4, vm0, $0xb8;
	[tilespmem:$0x19100] =	vst v63  }
0x58: {  	s5 =	rddreg [dreg:$0xb]  }
0x59: {  	[tilespmem:s5], [sflag:$0x1] =	stream.indirect_vreg.gather [hbm4b:s4+s2], $0x80, v4, vm0, $0xb8;
	[tilespmem:$0x19100] =	vst v63  }
0x5a: {  	s1 =	rddreg [dreg:$0xc]  }
0x5b: {  	[tilespmem:s1], [sflag:$0x1] =	stream.indirect_vreg.gather [hbm4b:s3+s2], $0x80, v3, vm0, $0xb8;
	[tilespmem:$0x19100] =	vst v63  }
0x5c: {  	s5 =	rddreg [dreg:$0xd]  }
0x5d: {  	[tilespmem:s5], [sflag:$0x1] =	stream.indirect_vreg.gather [hbm4b:s4+s2], $0x80, v3, vm0, $0xb8;
	[tilespmem:$0x19100] =	vst v63  }
0x5e: {  	v3 =	vld [tilespmem:$0x30];
	_ =	sdelay $0x4  }
0x5f: {  	v54 =	vshll.u32 v3, $0x2  }
0x60: {  	v3 =	vand.u32 $0x7, v3;
	v4 =	vand.u32 $0xFFFFFFE0, v54  }
0x61: {  	v3 =	vor.u32 v3, v4  }
0x62: {  	v4 =	vperm.xlane v3, v0;
	_ =	sdelay $0x1  }
0x63: {  	v4 =	vadd.s32 v1, v4;
	_ =	sdelay $0x1  }
0x64: {  	v3 =	vperm.xlane v3, v2;
	_ =	sdelay $0x1  }
0x65: {  	s1 =	rddreg [dreg:$0xe];
	v3 =	vadd.s32 v1, v3  }
0x66: {  	[tilespmem:s1], [sflag:$0x1] =	stream.indirect_vreg.gather [hbm4b:s3+s2], $0x80, v4, vm0, $0xb8;
	[tilespmem:$0x19100] =	vst v63  }
0x67: {  	s5 =	rddreg [dreg:$0xf]  }
0x68: {  	[tilespmem:s5], [sflag:$0x1] =	stream.indirect_vreg.gather [hbm4b:s4+s2], $0x80, v4, vm0, $0xb8;
	[tilespmem:$0x19100] =	vst v63  }
0x69: {  	s1 =	rddreg [dreg:$0x10]  }
0x6a: {  	[tilespmem:s1], [sflag:$0x1] =	stream.indirect_vreg.gather [hbm4b:s3+s2], $0x80, v3, vm0, $0xb8;
	[tilespmem:$0x19100] =	vst v63  }
0x6b: {  	s5 =	rddreg [dreg:$0x11]  }
0x6c: {  	[tilespmem:s5], [sflag:$0x1] =	stream.indirect_vreg.gather [hbm4b:s4+s2], $0x80, v3, vm0, $0xb8;
	[tilespmem:$0x19100] =	vst v63  }
0x6d: {  	v3 =	vld [tilespmem:$0x40];
	_ =	sdelay $0x4  }
0x6e: {  	v55 =	vshll.u32 v3, $0x2  }
0x6f: {  	v3 =	vand.u32 $0x7, v3;
	v4 =	vand.u32 $0xFFFFFFE0, v55  }
0x70: {  	v3 =	vor.u32 v3, v4  }
0x71: {  	v4 =	vperm.xlane v3, v0;
	_ =	sdelay $0x1  }
0x72: {  	v4 =	vadd.s32 v1, v4;
	_ =	sdelay $0x1  }
0x73: {  	v3 =	vperm.xlane v3, v2;
	_ =	sdelay $0x1  }
0x74: {  	s1 =	rddreg [dreg:$0x12];
	v3 =	vadd.s32 v1, v3  }
0x75: {  	[tilespmem:s1], [sflag:$0x1] =	stream.indirect_vreg.gather [hbm4b:s3+s2], $0x80, v4, vm0, $0xb8;
	[tilespmem:$0x19100] =	vst v63  }
0x76: {  	s5 =	rddreg [dreg:$0x13]  }
0x77: {  	[tilespmem:s5], [sflag:$0x1] =	stream.indirect_vreg.gather [hbm4b:s4+s2], $0x80, v4, vm0, $0xb8;
	[tilespmem:$0x19100] =	vst v63  }
0x78: {  	s1 =	rddreg [dreg:$0x14]  }
0x79: {  	[tilespmem:s1], [sflag:$0x1] =	stream.indirect_vreg.gather [hbm4b:s3+s2], $0x80, v3, vm0, $0xb8;
	[tilespmem:$0x19100] =	vst v63  }
0x7a: {  	s5 =	rddreg [dreg:$0x15]  }
0x7b: {  	[tilespmem:s5], [sflag:$0x1] =	stream.indirect_vreg.gather [hbm4b:s4+s2], $0x80, v3, vm0, $0xb8;
	[tilespmem:$0x19100] =	vst v63  }
0x7c: {  	v3 =	vld [tilespmem:$0x50];
	_ =	sdelay $0x4  }
0x7d: {  	v56 =	vshll.u32 v3, $0x2  }
0x7e: {  	v3 =	vand.u32 $0x7, v3;
	v4 =	vand.u32 $0xFFFFFFE0, v56  }
0x7f: {  	v3 =	vor.u32 v3, v4  }
0x80: {  	v4 =	vperm.xlane v3, v0;
	_ =	sdelay $0x1  }
0x81: {  	v4 =	vadd.s32 v1, v4;
	_ =	sdelay $0x1  }
0x82: {  	v3 =	vperm.xlane v3, v2;
	_ =	sdelay $0x1  }
0x83: {  	s1 =	rddreg [dreg:$0x16];
	v3 =	vadd.s32 v1, v3  }
0x84: {  	[tilespmem:s1], [sflag:$0x1] =	stream.indirect_vreg.gather [hbm4b:s3+s2], $0x80, v4, vm0, $0xb8;
	[tilespmem:$0x19100] =	vst v63  }
0x85: {  	s5 =	rddreg [dreg:$0x17]  }
0x86: {  	[tilespmem:s5], [sflag:$0x1] =	stream.indirect_vreg.gather [hbm4b:s4+s2], $0x80, v4, vm0, $0xb8;
	[tilespmem:$0x19100] =	vst v63  }
0x87: {  	s1 =	rddreg [dreg:$0x18]  }
0x88: {  	[tilespmem:s1], [sflag:$0x1] =	stream.indirect_vreg.gather [hbm4b:s3+s2], $0x80, v3, vm0, $0xb8;
	[tilespmem:$0x19100] =	vst v63  }
0x89: {  	s5 =	rddreg [dreg:$0x19]  }
0x8a: {  	[tilespmem:s5], [sflag:$0x1] =	stream.indirect_vreg.gather [hbm4b:s4+s2], $0x80, v3, vm0, $0xb8;
	[tilespmem:$0x19100] =	vst v63  }
0x8b: {  	v3 =	vld [tilespmem:$0x60];
	_ =	sdelay $0x4  }
0x8c: {  	v57 =	vshll.u32 v3, $0x2  }
0x8d: {  	v3 =	vand.u32 $0x7, v3;
	v4 =	vand.u32 $0xFFFFFFE0, v57  }
0x8e: {  	v3 =	vor.u32 v3, v4  }
0x8f: {  	v4 =	vperm.xlane v3, v0;
	_ =	sdelay $0x1  }
0x90: {  	v4 =	vadd.s32 v1, v4;
	_ =	sdelay $0x1  }
0x91: {  	v3 =	vperm.xlane v3, v2;
	_ =	sdelay $0x1  }
0x92: {  	s1 =	rddreg [dreg:$0x1a];
	v3 =	vadd.s32 v1, v3  }
0x93: {  	[tilespmem:s1], [sflag:$0x1] =	stream.indirect_vreg.gather [hbm4b:s3+s2], $0x80, v4, vm0, $0xb8;
	[tilespmem:$0x19100] =	vst v63  }
0x94: {  	s5 =	rddreg [dreg:$0x1b]  }
0x95: {  	[tilespmem:s5], [sflag:$0x1] =	stream.indirect_vreg.gather [hbm4b:s4+s2], $0x80, v4, vm0, $0xb8;
	[tilespmem:$0x19100] =	vst v63  }
0x96: {  	s1 =	rddreg [dreg:$0x1c]  }
0x97: {  	[tilespmem:s1], [sflag:$0x1] =	stream.indirect_vreg.gather [hbm4b:s3+s2], $0x80, v3, vm0, $0xb8;
	[tilespmem:$0x19100] =	vst v63  }
0x98: {  	s5 =	rddreg [dreg:$0x1d]  }
0x99: {  	[tilespmem:s5], [sflag:$0x1] =	stream.indirect_vreg.gather [hbm4b:s4+s2], $0x80, v3, vm0, $0xb8;
	[tilespmem:$0x19100] =	vst v63  }
0x9a: {  	v3 =	vld [tilespmem:$0x70];
	_ =	sdelay $0x4  }
0x9b: {  	v58 =	vshll.u32 v3, $0x2  }
0x9c: {  	v3 =	vand.u32 $0x7, v3;
	v4 =	vand.u32 $0xFFFFFFE0, v58  }
0x9d: {  	v3 =	vor.u32 v3, v4  }
0x9e: {  	v4 =	vperm.xlane v3, v0;
	_ =	sdelay $0x1  }
0x9f: {  	v4 =	vadd.s32 v1, v4;
	_ =	sdelay $0x1  }
0xa0: {  	v3 =	vperm.xlane v3, v2;
	_ =	sdelay $0x1  }
0xa1: {  	s1 =	rddreg [dreg:$0x1e];
	v3 =	vadd.s32 v1, v3  }
0xa2: {  	[tilespmem:s1], [sflag:$0x1] =	stream.indirect_vreg.gather [hbm4b:s3+s2], $0x80, v4, vm0, $0xb8;
	[tilespmem:$0x19100] =	vst v63  }
0xa3: {  	s5 =	rddreg [dreg:$0x1f]  }
0xa4: {  	[tilespmem:s5], [sflag:$0x1] =	stream.indirect_vreg.gather [hbm4b:s4+s2], $0x80, v4, vm0, $0xb8;
	[tilespmem:$0x19100] =	vst v63  }
0xa5: {  	_ = 	snop  }
0xa6: {  	[tilespmem:s9], [sflag:$0x1] =	stream.indirect_vreg.gather [hbm4b:s3+s2], $0x80, v3, vm0, $0xb8;
	[tilespmem:$0x19100] =	vst v63  }
0xa7: {  	_ = 	snop  }
0xa8: {  	[tilespmem:s10], [sflag:$0x1] =	stream.indirect_vreg.gather [hbm4b:s4+s2], $0x80, v3, vm0, $0xb8;
	[tilespmem:$0x19100] =	vst v63  }
0xa9: {  	v3 =	vld [tilespmem:$0x80];
	_ =	sdelay $0x4  }
0xaa: {  	v59 =	vshll.u32 v3, $0x2  }
0xab: {  	v3 =	vand.u32 $0x7, v3;
	v4 =	vand.u32 $0xFFFFFFE0, v59  }
0xac: {  	v3 =	vor.u32 v3, v4  }
0xad: {  	v4 =	vperm.xlane v3, v0;
	_ =	sdelay $0x1  }
0xae: {  	v4 =	vadd.s32 v1, v4;
	_ =	sdelay $0x1  }
0xaf: {  	v3 =	vperm.xlane v3, v2;
	_ =	sdelay $0x1  }
0xb0: {  	v3 =	vadd.s32 v1, v3  }
0xb1: {  	[tilespmem:s11], [sflag:$0x1] =	stream.indirect_vreg.gather [hbm4b:s3+s2], $0x80, v4, vm0, $0xb8;
	[tilespmem:$0x19100] =	vst v63  }
0xb2: {  	_ = 	snop  }
0xb3: {  	[tilespmem:s12], [sflag:$0x1] =	stream.indirect_vreg.gather [hbm4b:s4+s2], $0x80, v4, vm0, $0xb8;
	[tilespmem:$0x19100] =	vst v63  }
0xb4: {  	_ = 	snop  }
0xb5: {  	[tilespmem:s13], [sflag:$0x1] =	stream.indirect_vreg.gather [hbm4b:s3+s2], $0x80, v3, vm0, $0xb8;
	[tilespmem:$0x19100] =	vst v63  }
0xb6: {  	_ = 	snop  }
0xb7: {  	[tilespmem:s14], [sflag:$0x1] =	stream.indirect_vreg.gather [hbm4b:s4+s2], $0x80, v3, vm0, $0xb8;
	[tilespmem:$0x19100] =	vst v63  }
0xb8: {  	v3 =	vld [tilespmem:$0x90];
	_ =	sdelay $0x4  }
0xb9: {  	v60 =	vshll.u32 v3, $0x2  }
0xba: {  	v3 =	vand.u32 $0x7, v3;
	v4 =	vand.u32 $0xFFFFFFE0, v60  }
0xbb: {  	v3 =	vor.u32 v3, v4  }
0xbc: {  	v4 =	vperm.xlane v3, v0;
	_ =	sdelay $0x1  }
0xbd: {  	v4 =	vadd.s32 v1, v4;
	_ =	sdelay $0x1  }
0xbe: {  	v3 =	vperm.xlane v3, v2;
	_ =	sdelay $0x1  }
0xbf: {  	v3 =	vadd.s32 v1, v3  }
0xc0: {  	[tilespmem:s15], [sflag:$0x1] =	stream.indirect_vreg.gather [hbm4b:s3+s2], $0x80, v4, vm0, $0xb8;
	[tilespmem:$0x19100] =	vst v63  }
0xc1: {  	_ = 	snop  }
0xc2: {  	[tilespmem:s16], [sflag:$0x1] =	stream.indirect_vreg.gather [hbm4b:s4+s2], $0x80, v4, vm0, $0xb8;
	[tilespmem:$0x19100] =	vst v63  }
0xc3: {  	_ = 	snop  }
0xc4: {  	[tilespmem:s17], [sflag:$0x1] =	stream.indirect_vreg.gather [hbm4b:s3+s2], $0x80, v3, vm0, $0xb8;
	[tilespmem:$0x19100] =	vst v63  }
0xc5: {  	_ = 	snop  }
0xc6: {  	[tilespmem:s18], [sflag:$0x1] =	stream.indirect_vreg.gather [hbm4b:s4+s2], $0x80, v3, vm0, $0xb8;
	[tilespmem:$0x19100] =	vst v63  }
0xc7: {  	v3 =	vld [tilespmem:$0xA0];
	_ =	sdelay $0x4  }
0xc8: {  	v61 =	vshll.u32 v3, $0x2  }
0xc9: {  	v3 =	vand.u32 $0x7, v3;
	v4 =	vand.u32 $0xFFFFFFE0, v61  }
0xca: {  	v3 =	vor.u32 v3, v4  }
0xcb: {  	v4 =	vperm.xlane v3, v0;
	_ =	sdelay $0x1  }
0xcc: {  	v4 =	vadd.s32 v1, v4;
	_ =	sdelay $0x1  }
0xcd: {  	v3 =	vperm.xlane v3, v2;
	_ =	sdelay $0x1  }
0xce: {  	v3 =	vadd.s32 v1, v3  }
0xcf: {  	[tilespmem:s19], [sflag:$0x1] =	stream.indirect_vreg.gather [hbm4b:s3+s2], $0x80, v4, vm0, $0xb8;
	[tilespmem:$0x19100] =	vst v63  }
0xd0: {  	_ = 	snop  }
0xd1: {  	[tilespmem:s20], [sflag:$0x1] =	stream.indirect_vreg.gather [hbm4b:s4+s2], $0x80, v4, vm0, $0xb8;
	[tilespmem:$0x19100] =	vst v63  }
0xd2: {  	_ = 	snop  }
0xd3: {  	[tilespmem:s21], [sflag:$0x1] =	stream.indirect_vreg.gather [hbm4b:s3+s2], $0x80, v3, vm0, $0xb8;
	[tilespmem:$0x19100] =	vst v63  }
0xd4: {  	_ = 	snop  }
0xd5: {  	[tilespmem:s22], [sflag:$0x1] =	stream.indirect_vreg.gather [hbm4b:s4+s2], $0x80, v3, vm0, $0xb8;
	[tilespmem:$0x19100] =	vst v63  }
0xd6: {  	v3 =	vld [tilespmem:$0xB0];
	_ =	sdelay $0x4  }
0xd7: {  	v62 =	vshll.u32 v3, $0x2  }
0xd8: {  	v3 =	vand.u32 $0x7, v3;
	v4 =	vand.u32 $0xFFFFFFE0, v62  }
0xd9: {  	v3 =	vor.u32 v3, v4  }
0xda: {  	v4 =	vperm.xlane v3, v0;
	_ =	sdelay $0x1  }
0xdb: {  	v4 =	vadd.s32 v1, v4;
	_ =	sdelay $0x1  }
0xdc: {  	v3 =	vperm.xlane v3, v2;
	_ =	sdelay $0x1  }
0xdd: {  	v3 =	vadd.s32 v1, v3  }
0xde: {  	[tilespmem:s23], [sflag:$0x1] =	stream.indirect_vreg.gather [hbm4b:s3+s2], $0x80, v4, vm0, $0xb8;
	[tilespmem:$0x19100] =	vst v63  }
0xdf: {  	_ = 	snop  }
0xe0: {  	[tilespmem:s24], [sflag:$0x1] =	stream.indirect_vreg.gather [hbm4b:s4+s2], $0x80, v4, vm0, $0xb8;
	[tilespmem:$0x19100] =	vst v63  }
0xe1: {  	_ = 	snop  }
0xe2: {  	[tilespmem:s25], [sflag:$0x1] =	stream.indirect_vreg.gather [hbm4b:s3+s2], $0x80, v3, vm0, $0xb8;
	[tilespmem:$0x19100] =	vst v63  }
0xe3: {  	_ = 	snop  }
0xe4: {  	[tilespmem:s26], [sflag:$0x1] =	stream.indirect_vreg.gather [hbm4b:s4+s2], $0x80, v3, vm0, $0xb8;
	[tilespmem:$0x19100] =	vst v63  }
0xe5: {  	v3 =	vld.msk [tilespmem:$0xC0], $0xff;
	_ =	sdelay $0x4  }
0xe6: {  	v63 =	vshll.u32 v3, $0x2  }
0xe7: {  	v3 =	vand.u32 $0x7, v3;
	v4 =	vand.u32 $0xFFFFFFE0, v63  }
0xe8: {  	v3 =	vor.u32 v3, v4  }
0xe9: {  	v3 =	vperm.xlane v3, v0;
	_ =	sdelay $0x1  }
0xea: {  	v3 =	vadd.s32 v1, v3;
	_ =	sdelay $0x4  }
0xeb: {  	[tilespmem:s28], [sflag:$0x1] =	stream.indirect_vreg.gather [hbm4b:s3+s2], $0x80, v3, vm0, $0xb8;
	[tilespmem:$0x19100] =	vst v63  }
0xec: {  	_ = 	snop  }
0xed: {  	[tilespmem:s29], [sflag:$0x1] =	stream.indirect_vreg.gather [hbm4b:s4+s2], $0x80, v3, vm0, $0xb8;
	[tilespmem:$0x19100] =	vst v63  }
0xee: {  	_ =	swait.ge [sflag:s30], $0x19000  }
0xef: {  	p0 =	sne.s32 s0, $0x258;
	[sflag:s30] =	ssyncset.done $0x0  }
.Ltmp0:
0xf0: {  	[sflag:s30] =	ssyncadd.s32 $0xFFFE7000;
	(pc) =	sbr.rel @p0 .LBB2_2-.Ltmp0, $4  }
0xf1: {  	[hbm4b:s6+s2] =	stream.linear.scatter [tilespmem:s8], [sflag:$0x2], $0x19000, $0x38;
	[tilespmem:$0x19100] =	vst v63  }
0xf2: {  	_ =	swait.ge [sflag:s7], $0x19000  }
0xf3: {  	[sflag:s7] =	ssyncset.done $0x0  }
0xf4: {  	s0 =	sadd.s32 $0x19, s0;
	s6 =	sadd.s32 $0x3200, s6;
	[sflag:s7] =	ssyncadd.s32 $0xFFFE7000  }
0xf5: {  	s0 =	sld [smem:$0x7FC];
	_ =	sdelay $0x1  }
0xf6: {  	s31 =	sadd.s32 $0x1, s31  }
0xf7: {  	p0 =	sne.s32 s31, s0  }
.Ltmp1:
0xf8: {  	_ = 	snop;
	(pc) =	sbr.rel @p0 .LBB2_1-.Ltmp1, $1  }
0xf9: {  	_ =	sdelay $0x3  }
0xfa: {  	_ =	sfence.sel $0x180000  }
0xfb: {  	[bflag:$0x0] =	sbarrier.arrive $0xFFFF  }
0xfc: {  	_ =	strace $0x90000050  }
0xfd: {  	s0 =	stileid.u32;
	[bflag:$0x2] =	sbarrier.arrive $0xFFFF  }
0xfe: {  	p0 =	sne.s32 s0, $0x0;
	s0 =	rddreg [dreg:$0x1]  }
0xff: {  	s0 =	sadd.s32 @!p0 $0x100000, s0  }
0x100: {  	[sflag:s0] =	ssyncadd.tile.s32 @!p0 $0x1;
	_ =	shalt  }
.Lfunc_end2:
_tile_overlayer_lowered:
.L_overlay_start_2:
0x101: {  	(tag) =	ssettag $0x2  }
0x102: {  	s0 =	rddreg [dreg:$0x0];
	s2 =	stileid.u32  }
0x103: {  	s1 =	rddreg [dreg:$0x1];
	p0 =	sne.s32 s2, $0x0  }
0x104: {  	s3 =	rddreg [dreg:$0x2];
	[bflag:$0x3] =	sbarrier.arrive $0xFFFF;
	s2 =	simm.s32 @!p0 $0x1C02  }
0x105: {  	[timem:s3], [sflag:s2] =	dma.local @!p0 [hbm:s0], s1  }
0x106: {  	s0 =	simm.s32 @!p0 $0x2  }
0x107: {  	_ =	swait.ge @!p0 [sflag:s0], s1  }
0x108: {  	s1 =	ssub.s32 @!p0 $0x0, s1;
	[sflag:s0] =	ssyncset.done @!p0 $0x0  }
0x109: {  	[sflag:s0] =	ssyncadd.s32 @!p0 s1  }
0x10a: {  	[bflag:$0x3] =	sbarrier.arrive $0xFFFF  }
0x10b: {  	_ =	shalt  }

// kernel: kernel.9.cloned.1.call-start
scs
__scs_entry_jumppad:
0x0: {  	(pc) =	sbr.rel $0x88, $3  }
0x1: {  	(tag) =	ssettag $0x0;
	lr =	simm.s32 $0x1  }
0x2: {  	[smem:$0x3F95] =	sst lr;
	_ =	strace $0xD0000000  }
0x3: {  	_ = 	snop  }
0x4: {  	_ = 	snop  }
0x5: {  	_ = 	snop  }
0x6: {  	_ = 	snop  }
0x7: {  	_ = 	snop  }
__scs_overlays_trampoline_lowered:
0x8: {  	[smem:$0x3FA4] =	sst s0  }
0x9: {  	[smem:$0x3FA5] =	sst s1  }
0xa: {  	[smem:$0x3FA6] =	sst s2  }
0xb: {  	[smem:$0x3FA7] =	sst s3  }
0xc: {  	[smem:$0x3FA8] =	sst s4  }
0xd: {  	[smem:$0x3FA9] =	sst s5  }
0xe: {  	[smem:$0x3FAA] =	sst s6  }
0xf: {  	[smem:$0x3FAB] =	sst s7  }
0x10: {  	[smem:$0x3FAC] =	sst s8  }
0x11: {  	[smem:$0x3FAD] =	sst s9;
	s0 =	simm.s32 @!p0 $0x0  }
0x12: {  	s1 =	sld [smem:$0x3F93];
	s0 =	simm.s32 @p0 $0x1  }
0x13: {  	[smem:$0x3FAE] =	sst s0;
	s0 =	simm.s32 @!p1 $0x0  }
0x14: {  	s2 =	sld [smem:$0x3F92];
	s0 =	simm.s32 @p1 $0x1  }
0x15: {  	[smem:$0x3FAF] =	sst s0;
	s0 =	simm.s32 @!p2 $0x0  }
0x16: {  	s3 =	sld [smem:$0x3FDB];
	s0 =	simm.s32 @p2 $0x1  }
0x17: {  	s4 =	simm.s32 $0x1BF5;
	[smem:$0x3FB1] =	sst s0  }
0x18: {  	s0 =	sld [smem:$0x3F94];
	_ =	swait.ge [sflag:s4], $0x0  }
0x19: {  	s7 =	sld [smem:$0x3F95]  }
0x1a: {  	s8 =	sadd.s32 $0xFFFFE003, lr  }
0x1b: {  	s9 =	sadd.s32 $0xFFFFFEF7, lr;
	s5 =	simm.s32 $0xFFFFFFFF;
	p2 =	slt.u32 s8, $0xFFFFF086  }
0x1c: {  	p1 =	slt.u32 s9, $0xF7A;
	s5 =	simm.s32 @!p2 $0x0  }
0x1d: {  	s5 =	simm.s32 @p1 $0x1;
	p0 =	seq.s32 s7, s2  }
0x1e: {  	s7 =	smul.u32 @!p0 $0xF7A, s2;
	p2 =	seq.s32 @!p0 s5, $0x0  }
0x1f: {  	s9 =	smul.u32 $0xF7A, s1;
	s8 =	simm.s32 @!p0 $0x1BF5;
	p2 =	por !p2, p0  }
0x20: {  	[sflag:s8] =	ssyncset.s32 @!p0 $0xFFFFF086;
	s6 =	sadd.s32 @!p0 s3, s7;
	s7 =	simm.s32 @!p0 $0x108  }
0x21: {  	s3 =	sadd.s32 s3, s9;
	s6 =	sadd.s32 @!p0 $0x88, s6;
	s7 =	simm.s32 @p2 $0x1082  }
0x22: {  	[simem:s7], [sflag:s8] =	dma.local @!p0 [hbm:s6], $0xF7A  }
0x23: {  	s9 =	sor.u32 $0xD0000000, s2;
	s6 =	simm.s32 $0x108;
	_ =	swait.ge @!p0 [sflag:s8], $0x0  }
0x24: {  	s3 =	sadd.s32 $0x88, s3;
	s6 =	simm.s32 @!p1 $0x1082;
	[sflag:s4] =	ssyncset.s32 $0xFFFFF086  }
0x25: {  	[simem:s6], [sflag:s4] =	dma.local [hbm:s3], $0xF7A  }
0x26: {  	[smem:$0x3F95] =	sst s1;
	(tag) =	ssettag s2;
	_ =	strace s9  }
0x27: {  	s1 =	sld [smem:$0x3FA5]  }
0x28: {  	s2 =	sld [smem:$0x3FA6]  }
0x29: {  	s4 =	sld [smem:$0x3FA8]  }
0x2a: {  	p0 =	seq.s32 s5, $0x0;
	s5 =	sld [smem:$0x3FA9]  }
0x2b: {  	s6 =	sld [smem:$0x3FAA]  }
0x2c: {  	s7 =	sld [smem:$0x3FAB]  }
0x2d: {  	s3 =	simm.s32 $0x108;
	s8 =	sld [smem:$0x3FAC]  }
0x2e: {  	s3 =	simm.s32 @!p0 $0x1082;
	s9 =	sld [smem:$0x3FAD]  }
0x2f: {  	lr =	sadd.s32 s0, s3;
	s0 =	sld [smem:$0x3FA4]  }
0x30: {  	s3 =	sld [smem:$0x3FA7]  }
0x31: {  	[smem:$0x3FB0] =	sst s10  }
0x32: {  	s10 =	sld [smem:$0x3FAE];
	_ =	sdelay $0x3  }
0x33: {  	p0 =	seq.s32 s10, $0x1;
	s10 =	sld [smem:$0x3FB0];
	_ =	sdelay $0x3  }
0x34: {  	[smem:$0x3FB0] =	sst s10  }
0x35: {  	s10 =	sld [smem:$0x3FAF];
	_ =	sdelay $0x3  }
0x36: {  	p1 =	seq.s32 s10, $0x1;
	s10 =	sld [smem:$0x3FB0];
	_ =	sdelay $0x3  }
0x37: {  	[smem:$0x3FB0] =	sst s10  }
0x38: {  	s10 =	sld [smem:$0x3FB1]  }
0x39: {  	_ = 	snop;
	(pc) =	sbr.ind lr, $3  }
0x3a: {  	_ = 	snop  }
0x3b: {  	_ = 	snop  }
0x3c: {  	p2 =	seq.s32 s10, $0x1;
	s10 =	sld [smem:$0x3FB0]  }
0x3d: {  	_ =	shalt  }
0x3e: {  	_ =	shalt  }
0x3f: {  	_ =	shalt  }
0x40: {  	_ =	shalt  }
0x41: {  	_ =	shalt  }
0x42: {  	_ =	shalt  }
0x43: {  	_ =	shalt  }
0x44: {  	_ =	shalt  }
0x45: {  	_ =	shalt  }
0x46: {  	_ =	shalt  }
0x47: {  	_ =	shalt  }
0x48: {  	_ =	shalt  }
0x49: {  	_ =	shalt  }
0x4a: {  	_ =	shalt  }
0x4b: {  	_ =	shalt  }
0x4c: {  	_ =	shalt  }
0x4d: {  	_ =	shalt  }
0x4e: {  	_ =	shalt  }
0x4f: {  	_ =	shalt  }
0x50: {  	_ =	shalt  }
0x51: {  	_ =	shalt  }
0x52: {  	_ =	shalt  }
0x53: {  	_ =	shalt  }
0x54: {  	_ =	shalt  }
0x55: {  	_ =	shalt  }
0x56: {  	_ =	shalt  }
0x57: {  	_ =	shalt  }
0x58: {  	_ =	shalt  }
0x59: {  	_ =	shalt  }
0x5a: {  	_ =	shalt  }
0x5b: {  	_ =	shalt  }
0x5c: {  	_ =	shalt  }
0x5d: {  	_ =	shalt  }
0x5e: {  	_ =	shalt  }
0x5f: {  	_ =	shalt  }
0x60: {  	_ =	shalt  }
0x61: {  	_ =	shalt  }
0x62: {  	_ =	shalt  }
0x63: {  	_ =	shalt  }
0x64: {  	_ =	shalt  }
0x65: {  	_ =	shalt  }
0x66: {  	_ =	shalt  }
0x67: {  	_ =	shalt  }
0x68: {  	_ =	shalt  }
0x69: {  	_ =	shalt  }
0x6a: {  	_ =	shalt  }
0x6b: {  	_ =	shalt  }
0x6c: {  	_ =	shalt  }
0x6d: {  	_ =	shalt  }
0x6e: {  	_ =	shalt  }
0x6f: {  	_ =	shalt  }
0x70: {  	_ =	shalt  }
0x71: {  	_ =	shalt  }
0x72: {  	_ =	shalt  }
0x73: {  	_ =	shalt  }
0x74: {  	_ =	shalt  }
0x75: {  	_ =	shalt  }
0x76: {  	_ =	shalt  }
0x77: {  	_ =	shalt  }
0x78: {  	_ =	shalt  }
0x79: {  	_ =	shalt  }
0x7a: {  	_ =	shalt  }
0x7b: {  	_ =	shalt  }
0x7c: {  	_ =	shalt  }
0x7d: {  	_ =	shalt  }
0x7e: {  	_ =	shalt  }
0x7f: {  	_ =	shalt  }
0x80: {  	_ =	shalt  }
0x81: {  	_ =	shalt  }
0x82: {  	_ =	shalt  }
0x83: {  	_ =	shalt  }
0x84: {  	_ =	shalt  }
0x85: {  	_ =	shalt  }
0x86: {  	_ =	shalt  }
0x87: {  	_ =	shalt  }
.Lfunc_end0:
.L_simem_size_0:
called_computation.2_lowered:
.L_overlay_start_0:
0x88: {  	s2 =	sld [smem:$0x3FD9]  }
0x89: {  	s3 =	sld [smem:$0x3FFE];
	_ =	sdelay $0x1  }
0x8a: {  	s1 =	srdreg.scid  }
0x8b: {  	s0 =	sand.u32 $0x1, s1  }
0x8c: {  	s17 =	sshll.u32 s0, $0xA;
	s2 =	sadd.s32 s3, s2  }
0x8d: {  	s2 =	sadd.s32 s2, s17  }
0x8e: {  	[smem:$0x3FBC] =	sst s2  }
0x8f: {  	_ = 	snop  }
0x90: {  	(tm) =	ssettm $0x1  }
0x91: {  	s18 =	sld [smem:$0x3FFB];
	_ =	sdelay $0x3  }
0x92: {  	_ =	strace s18  }
0x93: {  	s2 =	sld [smem:$0x3FFC];
	_ =	sdelay $0x3  }
0x94: {  	_ =	strace s2  }
0x95: {  	s2 =	sld [smem:$0x3FFD];
	_ =	sdelay $0x3  }
0x96: {  	_ =	strace s2  }
0x97: {  	_ =	strace $0x8FFFFFFF  }
0x98: {  	s19 =	sld [smem:$0x3FDB];
	_ =	sdelay $0x1  }
0x99: {  	s20 =	simm.s32 $_scs_section_size  }
0x9a: {  	s4 =	simm.s32 $_size__tile_overlayer_lowered;
	s5 =	simm.s32 $_tile_overlayer_lowered  }
0x9b: {  	s6 =	simm.s32 $0x1BFF;
	s21 =	sshll.u32 s5, $0x1;
	s3 =	sadd.s32 s20, s19  }
0x9c: {  	s22 =	simm.s32 $0x0;
	s4 =	sshll.u32 s4, $0x1;
	s5 =	sadd.s32 s21, s3  }
0x9d: {  	[timem:s22], [sflag:s6] =	dma.local [hbm:s5], s4  }
0x9e: {  	_ =	swait.ge [sflag:s6], s4  }
0x9f: {  	s4 =	ssub.s32 $0x0, s4;
	[sflag:s6] =	ssyncset.done $0x0  }
0xa0: {  	[sflag:s6] =	ssyncadd.s32 s4;
	_ =	sdelay $0x1  }
0xa1: {  	s23 =	simm.s32 $0x1B8B  }
0xa2: {  	_ =	swait.ge [sflag:s23], $0x1  }
0xa3: {  	[sflag:s23] =	ssyncset.done $0x0  }
0xa4: {  	[sflag:s23] =	ssyncadd.s32 $0xFFFFFFFF  }
0xa5: {  	s4 =	sld [smem:$0x0]  }
0xa6: {  	s5 =	sand.u32 $0xFFFFFFFE, s1  }
0xa7: {  	p0 =	sne.s32 s1, s5  }
0xa8: {  	s5 =	sshll.u32 @p0 s5, $0xE  }
0xa9: {  	s5 =	sadd.s32 @p0 $0x11B8D, s5;
	s6 =	sshll.u32 @p0 s4, $0x11  }
0xaa: {  	s5 =	sor.u32 @p0 s6, s5  }
0xab: {  	[sflag:s5] =	ssyncadd.remote.s32 @p0 $0x1;
	_ =	sdelay $0x1  }
0xac: {  	s5 =	simm.s32 @p0 $0x1B8D  }
0xad: {  	_ =	swait.eq @p0 [sflag:s5], $0x1  }
0xae: {  	[sflag:s5] =	ssyncadd.s32 @p0 $0xFFFFFFFF  }
0xaf: {  	s6 =	sshll.u32 @!p0 s1, $0xE  }
0xb0: {  	s6 =	sor.u32 @!p0 $0x4000, s6;
	s5 =	simm.s32 @!p0 $0x1B8D  }
0xb1: {  	s4 =	sshll.u32 @!p0 s4, $0x11;
	s6 =	sadd.s32 @!p0 $0x11B8D, s6;
	_ =	swait.eq @!p0 [sflag:s5], $0x1  }
0xb2: {  	s4 =	sor.u32 @!p0 s4, s6;
	[sflag:s5] =	ssyncadd.s32 @!p0 $0xFFFFFFFF  }
0xb3: {  	s25 =	simm.s32 $0x1B8E;
	s24 =	sld [smem:$0x3FFE];
	[sflag:s4] =	ssyncadd.remote.s32 @!p0 $0x1  }
0xb4: {  	s26 =	simm.s32 $execute0_lowered;
	[smem:$0x3FD2] =	sst s25  }
0xb5: {  	s5 =	sshll.u32 s26, $0x1;
	_ =	strace $0x8000004C;
	[dreg:$0x1] =	wrdreg $0xFFFFFFFF  }
0xb6: {  	s28 =	simm.s32 $_size_execute0_lowered;
	s3 =	sadd.s32 s3, s5;
	[dreg:$0x0] =	wrdreg $0x0  }
0xb7: {  	s5 =	sshll.u32 s28, $0x1;
	[dreg:$0x2] =	wrdreg s3  }
0xb8: {  	[dreg:$0x3] =	wrdreg s5  }
0xb9: {  	[dreg:$0x4] =	wrdreg $0xC0  }
0xba: {  	_ =	task [dreg:s22], $0x5FFFF  }
0xbb: {  	[dreg:$0x1] =	wrdreg $0xFFFFFFFF  }
0xbc: {  	[dreg:$0x0] =	wrdreg $0x60  }
0xbd: {  	[dreg:$0x2] =	wrdreg s24  }
0xbe: {  	[dreg:$0x3] =	wrdreg $0xA  }
0xbf: {  	_ =	task.clear_ibuf [dreg:s22], $0x4FFFF;
	_ =	strace $0x9000004C  }
0xc0: {  	s29 =	simm.s32 $0xA;
	_ =	strace $0x8000004E  }
0xc1: {  	_ =	swait.ge [sflag:s29], $0x1  }
0xc2: {  	[sflag:s29] =	ssyncadd.s32 $0xFFFFFFFF  }
0xc3: {  	_ =	strace $0x9000004E  }
0xc4: {  	_ =	sfence  }
0xc5: {  	s30 =	sld [smem:$0x0];
	_ =	sdelay $0x2  }
0xc6: {  	s31 =	sshll.u32 s1, $0xD;
	s1 =	sshrl.u32 s1, $0x2  }
0xc7: {  	s4 =	sand.u32 $0x4000, s31;
	s1 =	sadd.s32 s1, s30  }
0xc8: {  	s0 =	sor.u32 s4, s0;
	s1 =	sshll.u32 s1, $0x11  }
0xc9: {  	s0 =	sor.u32 s1, s0  }
0xca: {  	s0 =	sadd.s32 $0x8F2B, s0  }
0xcb: {  	[sflag:s0] =	ssyncadd.remote.s32 $0x1  }
0xcc: {  	_ =	sfence.sel $0xFFFF  }
0xcd: {  	[dreg:$0x0] =	wrdreg $0xFFFFFFFF;
	(pc) =	sbr.abs _section_cstart, $3  }
0xce: {  	[dreg:$0x1] =	wrdreg $0xFFFFFFFF  }
0xcf: {  	_ =	task.clear_ibuf [dreg:s22], $0x2FFFF;
	_ =	strace $0x9FFFFFFF  }
0xd0: {  	(tm) =	ssettm $0x7FFFFFFF  }
0xd1: {  	_ =	shalt  }
tec
execute0_lowered:
.L_overlay_start_1:
0x0: {  	(tag) =	ssettag $0x1  }
0x1: {  	s0 =	srdreg.scid;
	s3 =	stileid.u32  }
0x2: {  	s0 =	sand.u32 $0x1, s0;
	s1 =	smul.u32 $0x2710, s3  }
0x3: {  	s2 =	smul.u32 $0x1388, s0;
	_ =	sdelay $0x1  }
0x4: {  	s4 =	rddreg [dreg:$0x0];
	s1 =	sadd.s32 s2, s1;
	s2 =	simm.s32 $0x0  }
0x5: {  	s19 =	simm.s32 $0x900;
	[smem:$0x7FF] =	sst s2  }
0x6: {  	s20 =	simm.s32 $0x1100;
	_ =	strace $0x8000004D;
	[dreg:$0x3] =	wrdreg s19  }
0x7: {  	s21 =	simm.s32 $0x1900;
	[dreg:$0x4] =	wrdreg s20  }
0x8: {  	s22 =	simm.s32 $0x2100;
	[dreg:$0x5] =	wrdreg s21  }
0x9: {  	s23 =	simm.s32 $0x2900;
	[dreg:$0x6] =	wrdreg s22  }
0xa: {  	s24 =	simm.s32 $0x3100;
	[dreg:$0x7] =	wrdreg s23  }
0xb: {  	s25 =	simm.s32 $0x3900;
	[dreg:$0x8] =	wrdreg s24  }
0xc: {  	s26 =	simm.s32 $0x4100;
	[dreg:$0x9] =	wrdreg s25  }
0xd: {  	s5 =	simm.s32 $0x4900;
	[dreg:$0xa] =	wrdreg s26  }
0xe: {  	s6 =	simm.s32 $0x5100;
	[dreg:$0xb] =	wrdreg s5  }
0xf: {  	s7 =	simm.s32 $0x5900;
	[dreg:$0xc] =	wrdreg s6  }
0x10: {  	s8 =	simm.s32 $0x6100;
	s9 =	simm.s32 $0x6900;
	[dreg:$0xd] =	wrdreg s7  }
0x11: {  	s10 =	simm.s32 $0x7100;
	s11 =	simm.s32 $0x7900;
	[dreg:$0xe] =	wrdreg s8  }
0x12: {  	s12 =	simm.s32 $0x8100;
	s13 =	simm.s32 $0x8900;
	[dreg:$0xf] =	wrdreg s9  }
0x13: {  	s14 =	simm.s32 $0x9100;
	s15 =	simm.s32 $0x9900;
	[dreg:$0x10] =	wrdreg s10  }
0x14: {  	s16 =	simm.s32 $0xA100;
	s18 =	simm.s32 $0xA900;
	[dreg:$0x11] =	wrdreg s11  }
0x15: {  	s28 =	simm.s32 $0x18100;
	s29 =	simm.s32 $0x18900;
	[dreg:$0x12] =	wrdreg s12  }
0x16: {  	s30 =	simm.s32 $0x1;
	s31 =	simm.s32 $0x0;
	[dreg:$0x13] =	wrdreg s13  }
0x17: {  	s17 =	ssub.s32 $0x2, s0;
	s1 =	sshrl.u32 s1, $0x3;
	[dreg:$0x14] =	wrdreg s14  }
0x18: {  	s0 =	smul.u32 $0x4E200, s0;
	s1 =	sadd.s32 s1, s4;
	[dreg:$0x15] =	wrdreg s15  }
0x19: {  	s5 =	smul.u32 $0x9C400, s3;
	s3 =	sadd.s32 $0x6D200, s4;
	[dreg:$0x16] =	wrdreg s16  }
0x1a: {  	s7 =	sshrl.u32 s17, $0x1;
	[dreg:$0x17] =	wrdreg s18;
	s19 =	simm.s32 $0xB100  }
0x1b: {  	s20 =	simm.s32 $0xB900;
	s21 =	simm.s32 $0xC100;
	s22 =	simm.s32 $0xC900  }
0x1c: {  	s23 =	simm.s32 $0xD100;
	s24 =	simm.s32 $0xD900;
	[dreg:$0x18] =	wrdreg s19  }
0x1d: {  	s25 =	simm.s32 $0xE100;
	s26 =	simm.s32 $0xE900;
	[dreg:$0x19] =	wrdreg s20  }
0x1e: {  	s8 =	simm.s32 $0x100;
	s9 =	simm.s32 $0xF100;
	[dreg:$0x1a] =	wrdreg s21  }
0x1f: {  	s10 =	simm.s32 $0xF900;
	s11 =	simm.s32 $0x10100;
	[dreg:$0x1b] =	wrdreg s22  }
0x20: {  	s12 =	simm.s32 $0x10900;
	s13 =	simm.s32 $0x11100;
	[dreg:$0x1c] =	wrdreg s23  }
0x21: {  	s14 =	simm.s32 $0x11900;
	s15 =	simm.s32 $0x12100;
	[dreg:$0x1d] =	wrdreg s24  }
0x22: {  	s16 =	simm.s32 $0x12900;
	s18 =	simm.s32 $0x13900;
	[dreg:$0x1e] =	wrdreg s25  }
0x23: {  	s1 =	sadd.s32 $0x68200, s1;
	[dreg:$0x1f] =	wrdreg s26;
	s19 =	simm.s32 $0x14100  }
0x24: {  	s20 =	simm.s32 $0x14900;
	s21 =	simm.s32 $0x15100;
	s22 =	simm.s32 $0x15900  }
0x25: {  	s23 =	simm.s32 $0x16100;
	s24 =	simm.s32 $0x16900;
	s25 =	simm.s32 $0x17100  }
0x26: {  	s26 =	simm.s32 $0x17900;
	s6 =	sadd.s32 s5, s4;
	s5 =	ssub.s32 s17, s7  }
0x27: {  	v2 =	vlaneseq.u32;
	[dreg:$0x2] =	wrdreg s1;
	s5 =	smax.u32 s5, $0x1;
	s0 =	sadd.s32 s0, s6  }
0x28: {  	vm0 =	vmmov $0xffff;
	v1 =	vshrl.u32 v2, $0x3;
	s4 =	sadd.s32 $0x6D300, s4;
	[smem:$0x7FC] =	sst s5;
	s0 =	sadd.s32 $0x10D200, s0  }
0x29: {  	v0 =	vand.u32 $0x7, v2;
	v2 =	vor.u32 $0x8, v2;
	v1 =	vmul.u32 $0x8, v1;
	s7 =	simm.s32 $0x2;
	s17 =	simm.s32 $0x13100;
	[smem:$0x7FD] =	sst s0  }
.LBB2_1:
0x2a: {  	s6 =	sld [smem:$0x7FD];
	s0 =	simm.s32 $0x0  }
.LBB2_2:
0x2b: {  	s5 =	rddreg [dreg:$0x2]  }
0x2c: {  	s5 =	sadd.s32 s0, s5  }
0x2d: {  	[tilespmem:s2], [sflag:$0x2] =	stream.linear.gather [hbm4b:s5+s2], $0xC8, $0x38;
	[tilespmem:$0x19100] =	vst v63  }
0x2e: {  	_ =	swait.ge [sflag:s7], $0xC8  }
0x2f: {  	[sflag:s7] =	ssyncset.done $0x0  }
0x30: {  	[sflag:s7] =	ssyncadd.s32 $0xFFFFFF38  }
0x31: {  	v3 =	vld [tilespmem:$0x0];
	_ =	sdelay $0x4  }
0x32: {  	v4 =	vshll.u32 v3, $0x2  }
0x33: {  	v3 =	vand.u32 $0x7, v3;
	v4 =	vand.u32 $0xFFFFFFE0, v4  }
0x34: {  	v3 =	vor.u32 v3, v4  }
0x35: {  	v4 =	vperm.xlane v3, v0;
	_ =	sdelay $0x1  }
0x36: {  	v4 =	vadd.s32 v1, v4;
	_ =	sdelay $0x1  }
0x37: {  	v3 =	vperm.xlane v3, v2;
	_ =	sdelay $0x1  }
0x38: {  	v3 =	vadd.s32 v1, v3  }
0x39: {  	[tilespmem:s8], [sflag:$0x1] =	stream.indirect_vreg.gather [hbm4b:s3+s2], $0x80, v4, vm0, $0xb8;
	[tilespmem:$0x19100] =	vst v63  }
0x3a: {  	s5 =	rddreg [dreg:$0x3]  }
0x3b: {  	[tilespmem:s5], [sflag:$0x1] =	stream.indirect_vreg.gather [hbm4b:s4+s2], $0x80, v4, vm0, $0xb8;
	[tilespmem:$0x19100] =	vst v63  }
0x3c: {  	s1 =	rddreg [dreg:$0x4]  }
0x3d: {  	[tilespmem:s1], [sflag:$0x1] =	stream.indirect_vreg.gather [hbm4b:s3+s2], $0x80, v3, vm0, $0xb8;
	[tilespmem:$0x19100] =	vst v63  }
0x3e: {  	s5 =	rddreg [dreg:$0x5]  }
0x3f: {  	[tilespmem:s5], [sflag:$0x1] =	stream.indirect_vreg.gather [hbm4b:s4+s2], $0x80, v3, vm0, $0xb8;
	[tilespmem:$0x19100] =	vst v63  }
0x40: {  	v3 =	vld [tilespmem:$0x10];
	_ =	sdelay $0x4  }
0x41: {  	v52 =	vshll.u32 v3, $0x2  }
0x42: {  	v3 =	vand.u32 $0x7, v3;
	v4 =	vand.u32 $0xFFFFFFE0, v52  }
0x43: {  	v3 =	vor.u32 v3, v4  }
0x44: {  	v4 =	vperm.xlane v3, v0;
	_ =	sdelay $0x1  }
0x45: {  	v4 =	vadd.s32 v1, v4;
	_ =	sdelay $0x1  }
0x46: {  	v3 =	vperm.xlane v3, v2;
	_ =	sdelay $0x1  }
0x47: {  	s1 =	rddreg [dreg:$0x6];
	v3 =	vadd.s32 v1, v3  }
0x48: {  	[tilespmem:s1], [sflag:$0x1] =	stream.indirect_vreg.gather [hbm4b:s3+s2], $0x80, v4, vm0, $0xb8;
	[tilespmem:$0x19100] =	vst v63  }
0x49: {  	s5 =	rddreg [dreg:$0x7]  }
0x4a: {  	[tilespmem:s5], [sflag:$0x1] =	stream.indirect_vreg.gather [hbm4b:s4+s2], $0x80, v4, vm0, $0xb8;
	[tilespmem:$0x19100] =	vst v63  }
0x4b: {  	s1 =	rddreg [dreg:$0x8]  }
0x4c: {  	[tilespmem:s1], [sflag:$0x1] =	stream.indirect_vreg.gather [hbm4b:s3+s2], $0x80, v3, vm0, $0xb8;
	[tilespmem:$0x19100] =	vst v63  }
0x4d: {  	s5 =	rddreg [dreg:$0x9]  }
0x4e: {  	[tilespmem:s5], [sflag:$0x1] =	stream.indirect_vreg.gather [hbm4b:s4+s2], $0x80, v3, vm0, $0xb8;
	[tilespmem:$0x19100] =	vst v63  }
0x4f: {  	v3 =	vld [tilespmem:$0x20];
	_ =	sdelay $0x4  }
0x50: {  	v53 =	vshll.u32 v3, $0x2  }
0x51: {  	v3 =	vand.u32 $0x7, v3;
	v4 =	vand.u32 $0xFFFFFFE0, v53  }
0x52: {  	v3 =	vor.u32 v3, v4  }
0x53: {  	v4 =	vperm.xlane v3, v0;
	_ =	sdelay $0x1  }
0x54: {  	v4 =	vadd.s32 v1, v4;
	_ =	sdelay $0x1  }
0x55: {  	v3 =	vperm.xlane v3, v2;
	_ =	sdelay $0x1  }
0x56: {  	s1 =	rddreg [dreg:$0xa];
	v3 =	vadd.s32 v1, v3  }
0x57: {  	[tilespmem:s1], [sflag:$0x1] =	stream.indirect_vreg.gather [hbm4b:s3+s2], $0x80, v4, vm0, $0xb8;
	[tilespmem:$0x19100] =	vst v63  }
0x58: {  	s5 =	rddreg [dreg:$0xb]  }
0x59: {  	[tilespmem:s5], [sflag:$0x1] =	stream.indirect_vreg.gather [hbm4b:s4+s2], $0x80, v4, vm0, $0xb8;
	[tilespmem:$0x19100] =	vst v63  }
0x5a: {  	s1 =	rddreg [dreg:$0xc]  }
0x5b: {  	[tilespmem:s1], [sflag:$0x1] =	stream.indirect_vreg.gather [hbm4b:s3+s2], $0x80, v3, vm0, $0xb8;
	[tilespmem:$0x19100] =	vst v63  }
0x5c: {  	s5 =	rddreg [dreg:$0xd]  }
0x5d: {  	[tilespmem:s5], [sflag:$0x1] =	stream.indirect_vreg.gather [hbm4b:s4+s2], $0x80, v3, vm0, $0xb8;
	[tilespmem:$0x19100] =	vst v63  }
0x5e: {  	v3 =	vld [tilespmem:$0x30];
	_ =	sdelay $0x4  }
0x5f: {  	v54 =	vshll.u32 v3, $0x2  }
0x60: {  	v3 =	vand.u32 $0x7, v3;
	v4 =	vand.u32 $0xFFFFFFE0, v54  }
0x61: {  	v3 =	vor.u32 v3, v4  }
0x62: {  	v4 =	vperm.xlane v3, v0;
	_ =	sdelay $0x1  }
0x63: {  	v4 =	vadd.s32 v1, v4;
	_ =	sdelay $0x1  }
0x64: {  	v3 =	vperm.xlane v3, v2;
	_ =	sdelay $0x1  }
0x65: {  	s1 =	rddreg [dreg:$0xe];
	v3 =	vadd.s32 v1, v3  }
0x66: {  	[tilespmem:s1], [sflag:$0x1] =	stream.indirect_vreg.gather [hbm4b:s3+s2], $0x80, v4, vm0, $0xb8;
	[tilespmem:$0x19100] =	vst v63  }
0x67: {  	s5 =	rddreg [dreg:$0xf]  }
0x68: {  	[tilespmem:s5], [sflag:$0x1] =	stream.indirect_vreg.gather [hbm4b:s4+s2], $0x80, v4, vm0, $0xb8;
	[tilespmem:$0x19100] =	vst v63  }
0x69: {  	s1 =	rddreg [dreg:$0x10]  }
0x6a: {  	[tilespmem:s1], [sflag:$0x1] =	stream.indirect_vreg.gather [hbm4b:s3+s2], $0x80, v3, vm0, $0xb8;
	[tilespmem:$0x19100] =	vst v63  }
0x6b: {  	s5 =	rddreg [dreg:$0x11]  }
0x6c: {  	[tilespmem:s5], [sflag:$0x1] =	stream.indirect_vreg.gather [hbm4b:s4+s2], $0x80, v3, vm0, $0xb8;
	[tilespmem:$0x19100] =	vst v63  }
0x6d: {  	v3 =	vld [tilespmem:$0x40];
	_ =	sdelay $0x4  }
0x6e: {  	v55 =	vshll.u32 v3, $0x2  }
0x6f: {  	v3 =	vand.u32 $0x7, v3;
	v4 =	vand.u32 $0xFFFFFFE0, v55  }
0x70: {  	v3 =	vor.u32 v3, v4  }
0x71: {  	v4 =	vperm.xlane v3, v0;
	_ =	sdelay $0x1  }
0x72: {  	v4 =	vadd.s32 v1, v4;
	_ =	sdelay $0x1  }
0x73: {  	v3 =	vperm.xlane v3, v2;
	_ =	sdelay $0x1  }
0x74: {  	s1 =	rddreg [dreg:$0x12];
	v3 =	vadd.s32 v1, v3  }
0x75: {  	[tilespmem:s1], [sflag:$0x1] =	stream.indirect_vreg.gather [hbm4b:s3+s2], $0x80, v4, vm0, $0xb8;
	[tilespmem:$0x19100] =	vst v63  }
0x76: {  	s5 =	rddreg [dreg:$0x13]  }
0x77: {  	[tilespmem:s5], [sflag:$0x1] =	stream.indirect_vreg.gather [hbm4b:s4+s2], $0x80, v4, vm0, $0xb8;
	[tilespmem:$0x19100] =	vst v63  }
0x78: {  	s1 =	rddreg [dreg:$0x14]  }
0x79: {  	[tilespmem:s1], [sflag:$0x1] =	stream.indirect_vreg.gather [hbm4b:s3+s2], $0x80, v3, vm0, $0xb8;
	[tilespmem:$0x19100] =	vst v63  }
0x7a: {  	s5 =	rddreg [dreg:$0x15]  }
0x7b: {  	[tilespmem:s5], [sflag:$0x1] =	stream.indirect_vreg.gather [hbm4b:s4+s2], $0x80, v3, vm0, $0xb8;
	[tilespmem:$0x19100] =	vst v63  }
0x7c: {  	v3 =	vld [tilespmem:$0x50];
	_ =	sdelay $0x4  }
0x7d: {  	v56 =	vshll.u32 v3, $0x2  }
0x7e: {  	v3 =	vand.u32 $0x7, v3;
	v4 =	vand.u32 $0xFFFFFFE0, v56  }
0x7f: {  	v3 =	vor.u32 v3, v4  }
0x80: {  	v4 =	vperm.xlane v3, v0;
	_ =	sdelay $0x1  }
0x81: {  	v4 =	vadd.s32 v1, v4;
	_ =	sdelay $0x1  }
0x82: {  	v3 =	vperm.xlane v3, v2;
	_ =	sdelay $0x1  }
0x83: {  	s1 =	rddreg [dreg:$0x16];
	v3 =	vadd.s32 v1, v3  }
0x84: {  	[tilespmem:s1], [sflag:$0x1] =	stream.indirect_vreg.gather [hbm4b:s3+s2], $0x80, v4, vm0, $0xb8;
	[tilespmem:$0x19100] =	vst v63  }
0x85: {  	s5 =	rddreg [dreg:$0x17]  }
0x86: {  	[tilespmem:s5], [sflag:$0x1] =	stream.indirect_vreg.gather [hbm4b:s4+s2], $0x80, v4, vm0, $0xb8;
	[tilespmem:$0x19100] =	vst v63  }
0x87: {  	s1 =	rddreg [dreg:$0x18]  }
0x88: {  	[tilespmem:s1], [sflag:$0x1] =	stream.indirect_vreg.gather [hbm4b:s3+s2], $0x80, v3, vm0, $0xb8;
	[tilespmem:$0x19100] =	vst v63  }
0x89: {  	s5 =	rddreg [dreg:$0x19]  }
0x8a: {  	[tilespmem:s5], [sflag:$0x1] =	stream.indirect_vreg.gather [hbm4b:s4+s2], $0x80, v3, vm0, $0xb8;
	[tilespmem:$0x19100] =	vst v63  }
0x8b: {  	v3 =	vld [tilespmem:$0x60];
	_ =	sdelay $0x4  }
0x8c: {  	v57 =	vshll.u32 v3, $0x2  }
0x8d: {  	v3 =	vand.u32 $0x7, v3;
	v4 =	vand.u32 $0xFFFFFFE0, v57  }
0x8e: {  	v3 =	vor.u32 v3, v4  }
0x8f: {  	v4 =	vperm.xlane v3, v0;
	_ =	sdelay $0x1  }
0x90: {  	v4 =	vadd.s32 v1, v4;
	_ =	sdelay $0x1  }
0x91: {  	v3 =	vperm.xlane v3, v2;
	_ =	sdelay $0x1  }
0x92: {  	s1 =	rddreg [dreg:$0x1a];
	v3 =	vadd.s32 v1, v3  }
0x93: {  	[tilespmem:s1], [sflag:$0x1] =	stream.indirect_vreg.gather [hbm4b:s3+s2], $0x80, v4, vm0, $0xb8;
	[tilespmem:$0x19100] =	vst v63  }
0x94: {  	s5 =	rddreg [dreg:$0x1b]  }
0x95: {  	[tilespmem:s5], [sflag:$0x1] =	stream.indirect_vreg.gather [hbm4b:s4+s2], $0x80, v4, vm0, $0xb8;
	[tilespmem:$0x19100] =	vst v63  }
0x96: {  	s1 =	rddreg [dreg:$0x1c]  }
0x97: {  	[tilespmem:s1], [sflag:$0x1] =	stream.indirect_vreg.gather [hbm4b:s3+s2], $0x80, v3, vm0, $0xb8;
	[tilespmem:$0x19100] =	vst v63  }
0x98: {  	s5 =	rddreg [dreg:$0x1d]  }
0x99: {  	[tilespmem:s5], [sflag:$0x1] =	stream.indirect_vreg.gather [hbm4b:s4+s2], $0x80, v3, vm0, $0xb8;
	[tilespmem:$0x19100] =	vst v63  }
0x9a: {  	v3 =	vld [tilespmem:$0x70];
	_ =	sdelay $0x4  }
0x9b: {  	v58 =	vshll.u32 v3, $0x2  }
0x9c: {  	v3 =	vand.u32 $0x7, v3;
	v4 =	vand.u32 $0xFFFFFFE0, v58  }
0x9d: {  	v3 =	vor.u32 v3, v4  }
0x9e: {  	v4 =	vperm.xlane v3, v0;
	_ =	sdelay $0x1  }
0x9f: {  	v4 =	vadd.s32 v1, v4;
	_ =	sdelay $0x1  }
0xa0: {  	v3 =	vperm.xlane v3, v2;
	_ =	sdelay $0x1  }
0xa1: {  	s1 =	rddreg [dreg:$0x1e];
	v3 =	vadd.s32 v1, v3  }
0xa2: {  	[tilespmem:s1], [sflag:$0x1] =	stream.indirect_vreg.gather [hbm4b:s3+s2], $0x80, v4, vm0, $0xb8;
	[tilespmem:$0x19100] =	vst v63  }
0xa3: {  	s5 =	rddreg [dreg:$0x1f]  }
0xa4: {  	[tilespmem:s5], [sflag:$0x1] =	stream.indirect_vreg.gather [hbm4b:s4+s2], $0x80, v4, vm0, $0xb8;
	[tilespmem:$0x19100] =	vst v63  }
0xa5: {  	_ = 	snop  }
0xa6: {  	[tilespmem:s9], [sflag:$0x1] =	stream.indirect_vreg.gather [hbm4b:s3+s2], $0x80, v3, vm0, $0xb8;
	[tilespmem:$0x19100] =	vst v63  }
0xa7: {  	_ = 	snop  }
0xa8: {  	[tilespmem:s10], [sflag:$0x1] =	stream.indirect_vreg.gather [hbm4b:s4+s2], $0x80, v3, vm0, $0xb8;
	[tilespmem:$0x19100] =	vst v63  }
0xa9: {  	v3 =	vld [tilespmem:$0x80];
	_ =	sdelay $0x4  }
0xaa: {  	v59 =	vshll.u32 v3, $0x2  }
0xab: {  	v3 =	vand.u32 $0x7, v3;
	v4 =	vand.u32 $0xFFFFFFE0, v59  }
0xac: {  	v3 =	vor.u32 v3, v4  }
0xad: {  	v4 =	vperm.xlane v3, v0;
	_ =	sdelay $0x1  }
0xae: {  	v4 =	vadd.s32 v1, v4;
	_ =	sdelay $0x1  }
0xaf: {  	v3 =	vperm.xlane v3, v2;
	_ =	sdelay $0x1  }
0xb0: {  	v3 =	vadd.s32 v1, v3  }
0xb1: {  	[tilespmem:s11], [sflag:$0x1] =	stream.indirect_vreg.gather [hbm4b:s3+s2], $0x80, v4, vm0, $0xb8;
	[tilespmem:$0x19100] =	vst v63  }
0xb2: {  	_ = 	snop  }
0xb3: {  	[tilespmem:s12], [sflag:$0x1] =	stream.indirect_vreg.gather [hbm4b:s4+s2], $0x80, v4, vm0, $0xb8;
	[tilespmem:$0x19100] =	vst v63  }
0xb4: {  	_ = 	snop  }
0xb5: {  	[tilespmem:s13], [sflag:$0x1] =	stream.indirect_vreg.gather [hbm4b:s3+s2], $0x80, v3, vm0, $0xb8;
	[tilespmem:$0x19100] =	vst v63  }
0xb6: {  	_ = 	snop  }
0xb7: {  	[tilespmem:s14], [sflag:$0x1] =	stream.indirect_vreg.gather [hbm4b:s4+s2], $0x80, v3, vm0, $0xb8;
	[tilespmem:$0x19100] =	vst v63  }
0xb8: {  	v3 =	vld [tilespmem:$0x90];
	_ =	sdelay $0x4  }
0xb9: {  	v60 =	vshll.u32 v3, $0x2  }
0xba: {  	v3 =	vand.u32 $0x7, v3;
	v4 =	vand.u32 $0xFFFFFFE0, v60  }
0xbb: {  	v3 =	vor.u32 v3, v4  }
0xbc: {  	v4 =	vperm.xlane v3, v0;
	_ =	sdelay $0x1  }
0xbd: {  	v4 =	vadd.s32 v1, v4;
	_ =	sdelay $0x1  }
0xbe: {  	v3 =	vperm.xlane v3, v2;
	_ =	sdelay $0x1  }
0xbf: {  	v3 =	vadd.s32 v1, v3  }
0xc0: {  	[tilespmem:s15], [sflag:$0x1] =	stream.indirect_vreg.gather [hbm4b:s3+s2], $0x80, v4, vm0, $0xb8;
	[tilespmem:$0x19100] =	vst v63  }
0xc1: {  	_ = 	snop  }
0xc2: {  	[tilespmem:s16], [sflag:$0x1] =	stream.indirect_vreg.gather [hbm4b:s4+s2], $0x80, v4, vm0, $0xb8;
	[tilespmem:$0x19100] =	vst v63  }
0xc3: {  	_ = 	snop  }
0xc4: {  	[tilespmem:s17], [sflag:$0x1] =	stream.indirect_vreg.gather [hbm4b:s3+s2], $0x80, v3, vm0, $0xb8;
	[tilespmem:$0x19100] =	vst v63  }
0xc5: {  	_ = 	snop  }
0xc6: {  	[tilespmem:s18], [sflag:$0x1] =	stream.indirect_vreg.gather [hbm4b:s4+s2], $0x80, v3, vm0, $0xb8;
	[tilespmem:$0x19100] =	vst v63  }
0xc7: {  	v3 =	vld [tilespmem:$0xA0];
	_ =	sdelay $0x4  }
0xc8: {  	v61 =	vshll.u32 v3, $0x2  }
0xc9: {  	v3 =	vand.u32 $0x7, v3;
	v4 =	vand.u32 $0xFFFFFFE0, v61  }
0xca: {  	v3 =	vor.u32 v3, v4  }
0xcb: {  	v4 =	vperm.xlane v3, v0;
	_ =	sdelay $0x1  }
0xcc: {  	v4 =	vadd.s32 v1, v4;
	_ =	sdelay $0x1  }
0xcd: {  	v3 =	vperm.xlane v3, v2;
	_ =	sdelay $0x1  }
0xce: {  	v3 =	vadd.s32 v1, v3  }
0xcf: {  	[tilespmem:s19], [sflag:$0x1] =	stream.indirect_vreg.gather [hbm4b:s3+s2], $0x80, v4, vm0, $0xb8;
	[tilespmem:$0x19100] =	vst v63  }
0xd0: {  	_ = 	snop  }
0xd1: {  	[tilespmem:s20], [sflag:$0x1] =	stream.indirect_vreg.gather [hbm4b:s4+s2], $0x80, v4, vm0, $0xb8;
	[tilespmem:$0x19100] =	vst v63  }
0xd2: {  	_ = 	snop  }
0xd3: {  	[tilespmem:s21], [sflag:$0x1] =	stream.indirect_vreg.gather [hbm4b:s3+s2], $0x80, v3, vm0, $0xb8;
	[tilespmem:$0x19100] =	vst v63  }
0xd4: {  	_ = 	snop  }
0xd5: {  	[tilespmem:s22], [sflag:$0x1] =	stream.indirect_vreg.gather [hbm4b:s4+s2], $0x80, v3, vm0, $0xb8;
	[tilespmem:$0x19100] =	vst v63  }
0xd6: {  	v3 =	vld [tilespmem:$0xB0];
	_ =	sdelay $0x4  }
0xd7: {  	v62 =	vshll.u32 v3, $0x2  }
0xd8: {  	v3 =	vand.u32 $0x7, v3;
	v4 =	vand.u32 $0xFFFFFFE0, v62  }
0xd9: {  	v3 =	vor.u32 v3, v4  }
0xda: {  	v4 =	vperm.xlane v3, v0;
	_ =	sdelay $0x1  }
0xdb: {  	v4 =	vadd.s32 v1, v4;
	_ =	sdelay $0x1  }
0xdc: {  	v3 =	vperm.xlane v3, v2;
	_ =	sdelay $0x1  }
0xdd: {  	v3 =	vadd.s32 v1, v3  }
0xde: {  	[tilespmem:s23], [sflag:$0x1] =	stream.indirect_vreg.gather [hbm4b:s3+s2], $0x80, v4, vm0, $0xb8;
	[tilespmem:$0x19100] =	vst v63  }
0xdf: {  	_ = 	snop  }
0xe0: {  	[tilespmem:s24], [sflag:$0x1] =	stream.indirect_vreg.gather [hbm4b:s4+s2], $0x80, v4, vm0, $0xb8;
	[tilespmem:$0x19100] =	vst v63  }
0xe1: {  	_ = 	snop  }
0xe2: {  	[tilespmem:s25], [sflag:$0x1] =	stream.indirect_vreg.gather [hbm4b:s3+s2], $0x80, v3, vm0, $0xb8;
	[tilespmem:$0x19100] =	vst v63  }
0xe3: {  	_ = 	snop  }
0xe4: {  	[tilespmem:s26], [sflag:$0x1] =	stream.indirect_vreg.gather [hbm4b:s4+s2], $0x80, v3, vm0, $0xb8;
	[tilespmem:$0x19100] =	vst v63  }
0xe5: {  	v3 =	vld.msk [tilespmem:$0xC0], $0xff;
	_ =	sdelay $0x4  }
0xe6: {  	v63 =	vshll.u32 v3, $0x2  }
0xe7: {  	v3 =	vand.u32 $0x7, v3;
	v4 =	vand.u32 $0xFFFFFFE0, v63  }
0xe8: {  	v3 =	vor.u32 v3, v4  }
0xe9: {  	v3 =	vperm.xlane v3, v0;
	_ =	sdelay $0x1  }
0xea: {  	v3 =	vadd.s32 v1, v3;
	_ =	sdelay $0x4  }
0xeb: {  	[tilespmem:s28], [sflag:$0x1] =	stream.indirect_vreg.gather [hbm4b:s3+s2], $0x80, v3, vm0, $0xb8;
	[tilespmem:$0x19100] =	vst v63  }
0xec: {  	_ = 	snop  }
0xed: {  	[tilespmem:s29], [sflag:$0x1] =	stream.indirect_vreg.gather [hbm4b:s4+s2], $0x80, v3, vm0, $0xb8;
	[tilespmem:$0x19100] =	vst v63  }
0xee: {  	_ =	swait.ge [sflag:s30], $0x19000  }
0xef: {  	p0 =	sne.s32 s0, $0x258;
	[sflag:s30] =	ssyncset.done $0x0  }
.Ltmp0:
0xf0: {  	[sflag:s30] =	ssyncadd.s32 $0xFFFE7000;
	(pc) =	sbr.rel @p0 .LBB2_2-.Ltmp0, $4  }
0xf1: {  	[hbm4b:s6+s2] =	stream.linear.scatter [tilespmem:s8], [sflag:$0x2], $0x19000, $0x38;
	[tilespmem:$0x19100] =	vst v63  }
0xf2: {  	_ =	swait.ge [sflag:s7], $0x19000  }
0xf3: {  	[sflag:s7] =	ssyncset.done $0x0  }
0xf4: {  	s0 =	sadd.s32 $0x19, s0;
	s6 =	sadd.s32 $0x3200, s6;
	[sflag:s7] =	ssyncadd.s32 $0xFFFE7000  }
0xf5: {  	s0 =	sld [smem:$0x7FC];
	_ =	sdelay $0x1  }
0xf6: {  	s31 =	sadd.s32 $0x1, s31  }
0xf7: {  	p0 =	sne.s32 s31, s0  }
.Ltmp1:
0xf8: {  	_ = 	snop;
	(pc) =	sbr.rel @p0 .LBB2_1-.Ltmp1, $1  }
0xf9: {  	_ =	sdelay $0x3  }
0xfa: {  	_ =	sfence.sel $0x180000  }
0xfb: {  	[bflag:$0x0] =	sbarrier.arrive $0xFFFF  }
0xfc: {  	_ =	strace $0x9000004D  }
0xfd: {  	s0 =	stileid.u32;
	[bflag:$0x2] =	sbarrier.arrive $0xFFFF  }
0xfe: {  	p0 =	sne.s32 s0, $0x0;
	s0 =	rddreg [dreg:$0x1]  }
0xff: {  	s0 =	sadd.s32 @!p0 $0x100000, s0  }
0x100: {  	[sflag:s0] =	ssyncadd.tile.s32 @!p0 $0x1;
	_ =	shalt  }
.Lfunc_end2:
_tile_overlayer_lowered:
.L_overlay_start_2:
0x101: {  	(tag) =	ssettag $0x2  }
0x102: {  	s0 =	rddreg [dreg:$0x0];
	s2 =	stileid.u32  }
0x103: {  	s1 =	rddreg [dreg:$0x1];
	p0 =	sne.s32 s2, $0x0  }
0x104: {  	s3 =	rddreg [dreg:$0x2];
	[bflag:$0x3] =	sbarrier.arrive $0xFFFF;
	s2 =	simm.s32 @!p0 $0x1C02  }
0x105: {  	[timem:s3], [sflag:s2] =	dma.local @!p0 [hbm:s0], s1  }
0x106: {  	s0 =	simm.s32 @!p0 $0x2  }
0x107: {  	_ =	swait.ge @!p0 [sflag:s0], s1  }
0x108: {  	s1 =	ssub.s32 @!p0 $0x0, s1;
	[sflag:s0] =	ssyncset.done @!p0 $0x0  }
0x109: {  	[sflag:s0] =	ssyncadd.s32 @!p0 s1  }
0x10a: {  	[bflag:$0x3] =	sbarrier.arrive $0xFFFF  }
0x10b: {  	_ =	shalt  }

</sc_bundles>
